<compile_context>
chip_gen: v7x
topology: tpu7x:2x2x1
jax: 0.10.2.dev20260603
libtpu: 0.0.44.dev20260713+nightly
codegen_flags: <defaults>
</compile_context>

<pallas_src>
import functools

import jax
import jax.numpy as jnp
from jax import lax
from jax.experimental import pallas as pl
from jax.experimental.pallas import tpu as pltpu
from jax.experimental.pallas import tpu_sc as plsc

N_NODES = 10000
D = 128
N_EDGES = 320000

NC = 2
NS = 16
NW = NC * NS

CHUNK = 128
ACC_ROWS = 10240
ROWS_PER_TILE = ACC_ROWS // NS
CHUNKS_PER_W = 80
EDGES_PAD = NW * CHUNK * CHUNKS_PER_W
N_DUMP = ACC_ROWS - N_NODES


def _sc_segment_sum(x, src_w, dst_w, zrows, zdeg):
    mesh = plsc.VectorSubcoreMesh(
        core_axis_name="c", subcore_axis_name="s", num_cores=NC, num_subcores=NS
    )

    @functools.partial(
        pl.kernel,
        mesh=mesh,
        out_type=(
            jax.ShapeDtypeStruct((NC, ACC_ROWS, D), jnp.float32),
            jax.ShapeDtypeStruct((NC, ACC_ROWS), jnp.float32),
        ),
        scratch_types=[
            pltpu.VMEM_SHARED((ACC_ROWS, D), jnp.float32),
            pltpu.VMEM_SHARED((ACC_ROWS,), jnp.float32),
            pltpu.VMEM((CHUNKS_PER_W // 2, CHUNK), jnp.int32),
            pltpu.VMEM((CHUNKS_PER_W // 2, CHUNK), jnp.int32),
            pltpu.VMEM((CHUNK, D), jnp.float32),
            pltpu.VMEM((CHUNK, D), jnp.float32),
            pltpu.VMEM((CHUNK,), jnp.float32),
            pltpu.SemaphoreType.DMA,
            pltpu.SemaphoreType.DMA,
            pltpu.SemaphoreType.DMA,
            pltpu.SemaphoreType.DMA,
            pltpu.SemaphoreType.DMA,
            pltpu.SemaphoreType.DMA,
        ],
    )
    def seg_sum(x_hbm, src_hbm, dst_hbm, zr_hbm, zd_hbm, part_hbm, deg_hbm,
                acc, dacc, srcv, dstv, rows0, rows1, ones,
                gsA, gsB, ssA, ssB, osA, osB):
        cid = lax.axis_index("c")
        sid = lax.axis_index("s")
        wid = sid * NC + cid
        base = sid * ROWS_PER_TILE

        pltpu.sync_copy(zr_hbm.at[pl.ds(base, ROWS_PER_TILE)],
                        acc.at[pl.ds(base, ROWS_PER_TILE)])
        pltpu.sync_copy(zd_hbm.at[pl.ds(base, ROWS_PER_TILE)],
                        dacc.at[pl.ds(base, ROWS_PER_TILE)])
        for i in range(CHUNK // 16):
            ones[pl.ds(i * 16, 16)] = jnp.full((16,), 1.0, jnp.float32)

        plsc.subcore_barrier()

        HALF = CHUNKS_PER_W // 2
        G = HALF // 2

        def gather(j, buf, sem):
            return pltpu.make_async_copy(x_hbm.at[srcv.at[j]], buf, sem)

        def rsc(buf, j, sem):
            return pltpu.make_async_copy(buf, acc.at[dstv.at[j]], sem)

        def osc(j, sem):
            return pltpu.make_async_copy(ones, dacc.at[dstv.at[j]], sem)

        for p in range(2):
            pltpu.sync_copy(src_hbm.at[wid, pl.ds(p * HALF, HALF)], srcv)
            pltpu.sync_copy(dst_hbm.at[wid, pl.ds(p * HALF, HALF)], dstv)
            gather(0, rows0, gsA).start()
            gather(1, rows1, gsB).start()

            def body(g, _):
                j0 = 2 * g
                j1 = j0 + 1
                gather(j0, rows0, gsA).wait()
                rsc(rows0, j0, ssA).start(add=True)
                osc(j0, osA).start(add=True)
                gather(j1, rows1, gsB).wait()
                rsc(rows1, j1, ssB).start(add=True)
                osc(j1, osB).start(add=True)

                @pl.when(g + 1 < G)
                def _():
                    rsc(rows0, j0, ssA).wait()
                    osc(j0, osA).wait()
                    gather(j0 + 2, rows0, gsA).start()
                    rsc(rows1, j1, ssB).wait()
                    osc(j1, osB).wait()
                    gather(j1 + 2, rows1, gsB).start()

                return ()

            lax.fori_loop(0, G, body, ())
            rsc(rows0, 2 * G - 2, ssA).wait()
            osc(2 * G - 2, osA).wait()
            rsc(rows1, 2 * G - 1, ssB).wait()
            osc(2 * G - 1, osB).wait()

        plsc.subcore_barrier()

        pltpu.sync_copy(acc.at[pl.ds(base, ROWS_PER_TILE)],
                        part_hbm.at[cid].at[pl.ds(base, ROWS_PER_TILE)])
        pltpu.sync_copy(dacc.at[pl.ds(base, ROWS_PER_TILE)],
                        deg_hbm.at[cid].at[pl.ds(base, ROWS_PER_TILE)])

    return seg_sum(x, src_w, dst_w, zrows, zdeg)


ROW_BLK = 1000


def _tc_body(part_ref0, part_ref1, x_ref, wl_ref, wr_ref, bl_ref, br_ref,
             d0_ref, d1_ref, o_ref):
    agg = part_ref0[0] + part_ref1[0]
    acc = jnp.dot(agg, wl_ref[...], preferred_element_type=jnp.float32)
    acc += jnp.dot(x_ref[...], wr_ref[...], preferred_element_type=jnp.float32)
    acc += (d0_ref[0] + d1_ref[0]) * bl_ref[...]
    acc += br_ref[...]
    o_ref[...] = jnp.maximum(acc, 0.0)


def _tc_epilogue(part, x, wl_t, wr_t, bl, br, degp):
    grid = (N_NODES // ROW_BLK,)
    blk = lambda i: (i, 0)
    full = lambda i: (0, 0)
    return pl.pallas_call(
        _tc_body,
        grid=grid,
        in_specs=[
            pl.BlockSpec((1, ROW_BLK, D), lambda i: (0, i, 0)),
            pl.BlockSpec((1, ROW_BLK, D), lambda i: (1, i, 0)),
            pl.BlockSpec((ROW_BLK, D), blk),
            pl.BlockSpec((D, D), full),
            pl.BlockSpec((D, D), full),
            pl.BlockSpec((1, D), full),
            pl.BlockSpec((1, D), full),
            pl.BlockSpec((1, ROW_BLK, 1), lambda i: (0, i, 0)),
            pl.BlockSpec((1, ROW_BLK, 1), lambda i: (1, i, 0)),
        ],
        out_specs=pl.BlockSpec((ROW_BLK, D), blk),
        out_shape=jax.ShapeDtypeStruct((N_NODES, D), jnp.float32),
    )(part, part, x, wl_t, wr_t, bl, br, degp, degp)


@jax.jit
def kernel(x, edge_index, W_lin, b_lin, W_root, b_root):
    src = edge_index[0].astype(jnp.int32)
    dst = edge_index[1].astype(jnp.int32)
    pad = EDGES_PAD - N_EDGES
    src_w = jnp.concatenate(
        [src, jnp.arange(pad, dtype=jnp.int32) % N_NODES])
    dst_w = jnp.concatenate(
        [dst, N_NODES + (jnp.arange(pad, dtype=jnp.int32) % N_DUMP)])
    src_w = src_w.reshape(NW, CHUNKS_PER_W, CHUNK)
    dst_w = dst_w.reshape(NW, CHUNKS_PER_W, CHUNK)
    zrows = jnp.zeros((ACC_ROWS, D), jnp.float32)
    zdeg = jnp.zeros((ACC_ROWS,), jnp.float32)

    part, degp = _sc_segment_sum(x, src_w, dst_w, zrows, zdeg)

    out = _tc_epilogue(
        part, x, W_lin.T, W_root.T,
        b_lin.reshape(1, D), b_root.reshape(1, D),
        degp.reshape(NC, ACC_ROWS, 1),
    )
    return out

# --- scband reference (transcript-rebuilt; emitter-appended) ---
"""Pipeline reference for scband-gcn-4071628996707 (READ-ONLY COPY).

The authoritative reference and input builder live on the scoring server;
editing this copy changes nothing except your own understanding.
"""

import jax, jax.numpy as jnp
import numpy as np

N_NODES = 10000
N_EDGES = 320000
D_IN = 128
D_OUT = 128


def setup_inputs(seed: int = 0) -> dict:
    key = jax.random.key(seed)
    k1, k2 = jax.random.split(key)
    x = jax.random.normal(k1, (N_NODES, D_IN), dtype=jnp.float32)
    edge_index = jax.random.randint(k2, (2, N_EDGES), 0, N_NODES, dtype=jnp.int64)
    # Weights initialized per the module's _initialize_weights: constant 3
    W_lin = jnp.full((D_OUT, D_IN), 3.0, dtype=jnp.float32)
    b_lin = jnp.full((D_OUT,), 3.0, dtype=jnp.float32)
    W_root = jnp.full((D_OUT, D_IN), 3.0, dtype=jnp.float32)
    b_root = jnp.full((D_OUT,), 3.0, dtype=jnp.float32)
    return {"x": x, "edge_index": edge_index, "W_lin": W_lin, "b_lin": b_lin, "W_root": W_root, "b_root": b_root}


def reference(x, edge_index, W_lin, b_lin, W_root, b_root):
    # GCNConv with separate neighbor ('lin') and self ('root') transforms:
    #   out_i = root(x_i) + sum_{j in N(i)} lin(x_j)
    src = edge_index[0]
    dst = edge_index[1]
    # message: gather source node features, transform
    msg = x[src] @ W_lin.T + b_lin
    # aggregate: scatter-add messages to destination nodes
    agg = jax.ops.segment_sum(msg, dst, num_segments=x.shape[0])
    # root/self transform
    out = agg + x @ W_root.T + b_root
    # module forward applies ReLU after the conv
    return jax.nn.relu(out)

if __name__ == "__main__":
    import jax
    _d = setup_inputs()
    print(jax.jit(kernel)(*tuple(_d.values())))

</pallas_src>

<mosaic_0001>
#map = affine_map<(d0, d1) -> (0, 0)>
#map1 = affine_map<(d0, d1) -> (0, 0, 0)>
#map2 = affine_map<(d0, d1) -> (0)>
module attributes {stable_mosaic.version = 14 : i64} {
  func.func @seg_sum(%arg0: i32, %arg1: i32, %arg2: memref<10000x128xf32, #tpu.memory_space<hbm>>, %arg3: memref<32x80x128xi32, #tpu.memory_space<hbm>>, %arg4: memref<32x80x128xi32, #tpu.memory_space<hbm>>, %arg5: memref<10240x128xf32, #tpu.memory_space<hbm>>, %arg6: memref<10240xf32, #tpu.memory_space<hbm>>, %arg7: memref<2x10240x128xf32, #tpu.memory_space<hbm>>, %arg8: memref<2x10240xf32, #tpu.memory_space<hbm>>, %arg9: memref<10240x128xf32, #tpu.memory_space<vmem_shared>>, %arg10: memref<10240xf32, #tpu.memory_space<vmem_shared>>, %arg11: memref<40x128xi32, #tpu.memory_space<vmem>>, %arg12: memref<40x128xi32, #tpu.memory_space<vmem>>, %arg13: memref<128x128xf32, #tpu.memory_space<vmem>>, %arg14: memref<128x128xf32, #tpu.memory_space<vmem>>, %arg15: memref<128xf32, #tpu.memory_space<vmem>>, %arg16: memref<!tpu.dma_semaphore, #tpu.memory_space<semaphore_mem>>, %arg17: memref<!tpu.dma_semaphore, #tpu.memory_space<semaphore_mem>>, %arg18: memref<!tpu.dma_semaphore, #tpu.memory_space<semaphore_mem>>, %arg19: memref<!tpu.dma_semaphore, #tpu.memory_space<semaphore_mem>>, %arg20: memref<!tpu.dma_semaphore, #tpu.memory_space<semaphore_mem>>, %arg21: memref<!tpu.dma_semaphore, #tpu.memory_space<semaphore_mem>>) attributes {dimension_semantics = [#tpu.dimension_semantics<core_parallel>, #tpu.dimension_semantics<subcore_parallel>], iteration_bounds = array<i64: 2, 16>, scalar_prefetch = 0 : i64, scratch_operands = 13 : i64, tpu.core_type = #tpu.core_type<sc_vector_subcore>, window_params = [{transform_indices = #map}, {transform_indices = #map1}, {transform_indices = #map1}, {transform_indices = #map}, {transform_indices = #map2}, {transform_indices = #map1}, {transform_indices = #map}]} {
    %mul3A = arith.constant 2 : i32
    %mul3A_0 = arith.muli %arg1, %mul3A : i32
    %add3A = arith.addi %mul3A_0, %arg0 : i32
    %mul3A_1 = arith.constant 640 : i32
    %mul3A_2 = arith.muli %arg1, %mul3A_1 : i32
    "tpu.region"() ({
      %run_scoped3A = tpu.sem_alloc : memref<!tpu.dma_semaphore, #tpu.memory_space<semaphore_mem>>
      %dma_start3A_137 = arith.constant 0 : i32
      %dma_start3A_138 = tpu.memref_slice %arg9[%mul3A_2, %dma_start3A_137] : memref<10240x128xf32, #tpu.memory_space<vmem_shared>> -> memref<640x128xf32, #tpu.memory_space<vmem_shared>>
      %dma_start3A_139 = arith.constant 0 : i32
      %dma_start3A_140 = tpu.memref_slice %arg5[%mul3A_2, %dma_start3A_139] : memref<10240x128xf32, #tpu.memory_space<hbm>> -> memref<640x128xf32, #tpu.memory_space<hbm>>
      tpu.enqueue_dma source(%dma_start3A_140 : memref<640x128xf32, #tpu.memory_space<hbm>>) target(%dma_start3A_138 : memref<640x128xf32, #tpu.memory_space<vmem_shared>>) target_semaphore(%run_scoped3A : memref<!tpu.dma_semaphore, #tpu.memory_space<semaphore_mem>>)
      %dma_wait3A_141 = arith.constant 0 : i32
      %dma_wait3A_142 = tpu.memref_slice %arg9[%mul3A_2, %dma_wait3A_141] : memref<10240x128xf32, #tpu.memory_space<vmem_shared>> -> memref<640x128xf32, #tpu.memory_space<vmem_shared>>
      %dma_wait3A_143 = arith.constant 0 : i32
      %dma_wait3A_144 = tpu.memref_slice %arg5[%mul3A_2, %dma_wait3A_143] : memref<10240x128xf32, #tpu.memory_space<hbm>> -> memref<640x128xf32, #tpu.memory_space<hbm>>
      tpu.wait_dma2 semaphore(%run_scoped3A : memref<!tpu.dma_semaphore, #tpu.memory_space<semaphore_mem>>) src(%dma_wait3A_144 : memref<640x128xf32, #tpu.memory_space<hbm>>) dst(%dma_wait3A_142 : memref<640x128xf32, #tpu.memory_space<vmem_shared>>)
      tpu.yield
    }) : () -> ()
    "tpu.region"() ({
      %run_scoped3A = tpu.sem_alloc : memref<!tpu.dma_semaphore, #tpu.memory_space<semaphore_mem>>
      %dma_start3A_137 = tpu.memref_slice %arg10[%mul3A_2] : memref<10240xf32, #tpu.memory_space<vmem_shared>> -> memref<640xf32, #tpu.memory_space<vmem_shared>>
      %dma_start3A_138 = tpu.memref_slice %arg6[%mul3A_2] : memref<10240xf32, #tpu.memory_space<hbm>> -> memref<640xf32, #tpu.memory_space<hbm>>
      tpu.enqueue_dma source(%dma_start3A_138 : memref<640xf32, #tpu.memory_space<hbm>>) target(%dma_start3A_137 : memref<640xf32, #tpu.memory_space<vmem_shared>>) target_semaphore(%run_scoped3A : memref<!tpu.dma_semaphore, #tpu.memory_space<semaphore_mem>>)
      %dma_wait3A_139 = tpu.memref_slice %arg10[%mul3A_2] : memref<10240xf32, #tpu.memory_space<vmem_shared>> -> memref<640xf32, #tpu.memory_space<vmem_shared>>
      %dma_wait3A_140 = tpu.memref_slice %arg6[%mul3A_2] : memref<10240xf32, #tpu.memory_space<hbm>> -> memref<640xf32, #tpu.memory_space<hbm>>
      tpu.wait_dma2 semaphore(%run_scoped3A : memref<!tpu.dma_semaphore, #tpu.memory_space<semaphore_mem>>) src(%dma_wait3A_140 : memref<640xf32, #tpu.memory_space<hbm>>) dst(%dma_wait3A_139 : memref<640xf32, #tpu.memory_space<vmem_shared>>)
      tpu.yield
    }) : () -> ()
    %broadcast_in_dim3A = arith.constant 1.000000e+00 : f32
    %broadcast_in_dim3A_3 = vector.broadcast %broadcast_in_dim3A : f32 to vector<16xf32>
    %swap3A = arith.constant 0 : index
    %swap3A_4 = tpu.vector_load %arg15[%swap3A] {strides = array<i32>} : memref<128xf32, #tpu.memory_space<vmem>>, vector<16xf32>,
    %swap3A_5 = vector.shape_cast %swap3A_4 : vector<16xf32> to vector<16xf32>
    %swap3A_6 = vector.shape_cast %broadcast_in_dim3A_3 : vector<16xf32> to vector<16xf32>
    tpu.vector_store %arg15[%swap3A], %swap3A_6 {strides = array<i32>} : memref<128xf32, #tpu.memory_space<vmem>>, vector<16xf32>,
    %broadcast_in_dim3A_7 = arith.constant 1.000000e+00 : f32
    %broadcast_in_dim3A_8 = vector.broadcast %broadcast_in_dim3A_7 : f32 to vector<16xf32>
    %swap3A_9 = arith.constant 16 : index
    %swap3A_10 = tpu.vector_load %arg15[%swap3A_9] {strides = array<i32>} : memref<128xf32, #tpu.memory_space<vmem>>, vector<16xf32>,
    %swap3A_11 = vector.shape_cast %swap3A_10 : vector<16xf32> to vector<16xf32>
    %swap3A_12 = vector.shape_cast %broadcast_in_dim3A_8 : vector<16xf32> to vector<16xf32>
    tpu.vector_store %arg15[%swap3A_9], %swap3A_12 {strides = array<i32>} : memref<128xf32, #tpu.memory_space<vmem>>, vector<16xf32>,
    %broadcast_in_dim3A_13 = arith.constant 1.000000e+00 : f32
    %broadcast_in_dim3A_14 = vector.broadcast %broadcast_in_dim3A_13 : f32 to vector<16xf32>
    %swap3A_15 = arith.constant 32 : index
    %swap3A_16 = tpu.vector_load %arg15[%swap3A_15] {strides = array<i32>} : memref<128xf32, #tpu.memory_space<vmem>>, vector<16xf32>,
    %swap3A_17 = vector.shape_cast %swap3A_16 : vector<16xf32> to vector<16xf32>
    %swap3A_18 = vector.shape_cast %broadcast_in_dim3A_14 : vector<16xf32> to vector<16xf32>
    tpu.vector_store %arg15[%swap3A_15], %swap3A_18 {strides = array<i32>} : memref<128xf32, #tpu.memory_space<vmem>>, vector<16xf32>,
    %broadcast_in_dim3A_19 = arith.constant 1.000000e+00 : f32
    %broadcast_in_dim3A_20 = vector.broadcast %broadcast_in_dim3A_19 : f32 to vector<16xf32>
    %swap3A_21 = arith.constant 48 : index
    %swap3A_22 = tpu.vector_load %arg15[%swap3A_21] {strides = array<i32>} : memref<128xf32, #tpu.memory_space<vmem>>, vector<16xf32>,
    %swap3A_23 = vector.shape_cast %swap3A_22 : vector<16xf32> to vector<16xf32>
    %swap3A_24 = vector.shape_cast %broadcast_in_dim3A_20 : vector<16xf32> to vector<16xf32>
    tpu.vector_store %arg15[%swap3A_21], %swap3A_24 {strides = array<i32>} : memref<128xf32, #tpu.memory_space<vmem>>, vector<16xf32>,
    %broadcast_in_dim3A_25 = arith.constant 1.000000e+00 : f32
    %broadcast_in_dim3A_26 = vector.broadcast %broadcast_in_dim3A_25 : f32 to vector<16xf32>
    %swap3A_27 = arith.constant 64 : index
    %swap3A_28 = tpu.vector_load %arg15[%swap3A_27] {strides = array<i32>} : memref<128xf32, #tpu.memory_space<vmem>>, vector<16xf32>,
    %swap3A_29 = vector.shape_cast %swap3A_28 : vector<16xf32> to vector<16xf32>
    %swap3A_30 = vector.shape_cast %broadcast_in_dim3A_26 : vector<16xf32> to vector<16xf32>
    tpu.vector_store %arg15[%swap3A_27], %swap3A_30 {strides = array<i32>} : memref<128xf32, #tpu.memory_space<vmem>>, vector<16xf32>,
    %broadcast_in_dim3A_31 = arith.constant 1.000000e+00 : f32
    %broadcast_in_dim3A_32 = vector.broadcast %broadcast_in_dim3A_31 : f32 to vector<16xf32>
    %swap3A_33 = arith.constant 80 : index
    %swap3A_34 = tpu.vector_load %arg15[%swap3A_33] {strides = array<i32>} : memref<128xf32, #tpu.memory_space<vmem>>, vector<16xf32>,
    %swap3A_35 = vector.shape_cast %swap3A_34 : vector<16xf32> to vector<16xf32>
    %swap3A_36 = vector.shape_cast %broadcast_in_dim3A_32 : vector<16xf32> to vector<16xf32>
    tpu.vector_store %arg15[%swap3A_33], %swap3A_36 {strides = array<i32>} : memref<128xf32, #tpu.memory_space<vmem>>, vector<16xf32>,
    %broadcast_in_dim3A_37 = arith.constant 1.000000e+00 : f32
    %broadcast_in_dim3A_38 = vector.broadcast %broadcast_in_dim3A_37 : f32 to vector<16xf32>
    %swap3A_39 = arith.constant 96 : index
    %swap3A_40 = tpu.vector_load %arg15[%swap3A_39] {strides = array<i32>} : memref<128xf32, #tpu.memory_space<vmem>>, vector<16xf32>,
    %swap3A_41 = vector.shape_cast %swap3A_40 : vector<16xf32> to vector<16xf32>
    %swap3A_42 = vector.shape_cast %broadcast_in_dim3A_38 : vector<16xf32> to vector<16xf32>
    tpu.vector_store %arg15[%swap3A_39], %swap3A_42 {strides = array<i32>} : memref<128xf32, #tpu.memory_space<vmem>>, vector<16xf32>,
    %broadcast_in_dim3A_43 = arith.constant 1.000000e+00 : f32
    %broadcast_in_dim3A_44 = vector.broadcast %broadcast_in_dim3A_43 : f32 to vector<16xf32>
    %swap3A_45 = arith.constant 112 : index
    %swap3A_46 = tpu.vector_load %arg15[%swap3A_45] {strides = array<i32>} : memref<128xf32, #tpu.memory_space<vmem>>, vector<16xf32>,
    %swap3A_47 = vector.shape_cast %swap3A_46 : vector<16xf32> to vector<16xf32>
    %swap3A_48 = vector.shape_cast %broadcast_in_dim3A_44 : vector<16xf32> to vector<16xf32>
    tpu.vector_store %arg15[%swap3A_45], %swap3A_48 {strides = array<i32>} : memref<128xf32, #tpu.memory_space<vmem>>, vector<16xf32>,
    %barrier3A = arith.constant 0 : index
    tpu.barrier barrier_id(%barrier3A)
    "tpu.region"() ({
      %run_scoped3A = tpu.sem_alloc : memref<!tpu.dma_semaphore, #tpu.memory_space<semaphore_mem>>
      %dma_start3A_137 = arith.constant 0 : i32
      %dma_start3A_138 = arith.constant 0 : i32
      %dma_start3A_139 = tpu.memref_slice %arg3[%add3A, %dma_start3A_137, %dma_start3A_138] : memref<32x80x128xi32, #tpu.memory_space<hbm>> -> memref<1x40x128xi32, #tpu.memory_space<hbm>>
      %dma_start3A_140 = tpu.memref_squeeze %dma_start3A_139 : memref<1x40x128xi32, #tpu.memory_space<hbm>> -> memref<40x128xi32, #tpu.memory_space<hbm>>
      %dma_start3A_141 = arith.constant 0 : i32
      %dma_start3A_142 = arith.constant 0 : i32
      %dma_start3A_143 = tpu.memref_slice %arg3[%add3A, %dma_start3A_141, %dma_start3A_142] : memref<32x80x128xi32, #tpu.memory_space<hbm>> -> memref<1x40x128xi32, #tpu.memory_space<hbm>>
      %dma_start3A_144 = tpu.memref_squeeze %dma_start3A_143 : memref<1x40x128xi32, #tpu.memory_space<hbm>> -> memref<40x128xi32, #tpu.memory_space<hbm>>
      tpu.enqueue_dma source(%dma_start3A_144 : memref<40x128xi32, #tpu.memory_space<hbm>>) target(%arg11 : memref<40x128xi32, #tpu.memory_space<vmem>>) target_semaphore(%run_scoped3A : memref<!tpu.dma_semaphore, #tpu.memory_space<semaphore_mem>>)
      %dma_wait3A_145 = arith.constant 0 : i32
      %dma_wait3A_146 = arith.constant 0 : i32
      %dma_wait3A_147 = tpu.memref_slice %arg3[%add3A, %dma_wait3A_145, %dma_wait3A_146] : memref<32x80x128xi32, #tpu.memory_space<hbm>> -> memref<1x40x128xi32, #tpu.memory_space<hbm>>
      %dma_wait3A_148 = tpu.memref_squeeze %dma_wait3A_147 : memref<1x40x128xi32, #tpu.memory_space<hbm>> -> memref<40x128xi32, #tpu.memory_space<hbm>>
      %dma_wait3A_149 = arith.constant 0 : i32
      %dma_wait3A_150 = arith.constant 0 : i32
      %dma_wait3A_151 = tpu.memref_slice %arg3[%add3A, %dma_wait3A_149, %dma_wait3A_150] : memref<32x80x128xi32, #tpu.memory_space<hbm>> -> memref<1x40x128xi32, #tpu.memory_space<hbm>>
      %dma_wait3A_152 = tpu.memref_squeeze %dma_wait3A_151 : memref<1x40x128xi32, #tpu.memory_space<hbm>> -> memref<40x128xi32, #tpu.memory_space<hbm>>
      tpu.wait_dma2 semaphore(%run_scoped3A : memref<!tpu.dma_semaphore, #tpu.memory_space<semaphore_mem>>) src(%dma_wait3A_152 : memref<40x128xi32, #tpu.memory_space<hbm>>) dst(%arg11 : memref<40x128xi32, #tpu.memory_space<vmem>>)
      tpu.yield
    }) : () -> ()
    "tpu.region"() ({
      %run_scoped3A = tpu.sem_alloc : memref<!tpu.dma_semaphore, #tpu.memory_space<semaphore_mem>>
      %dma_start3A_137 = arith.constant 0 : i32
      %dma_start3A_138 = arith.constant 0 : i32
      %dma_start3A_139 = tpu.memref_slice %arg4[%add3A, %dma_start3A_137, %dma_start3A_138] : memref<32x80x128xi32, #tpu.memory_space<hbm>> -> memref<1x40x128xi32, #tpu.memory_space<hbm>>
      %dma_start3A_140 = tpu.memref_squeeze %dma_start3A_139 : memref<1x40x128xi32, #tpu.memory_space<hbm>> -> memref<40x128xi32, #tpu.memory_space<hbm>>
      %dma_start3A_141 = arith.constant 0 : i32
      %dma_start3A_142 = arith.constant 0 : i32
      %dma_start3A_143 = tpu.memref_slice %arg4[%add3A, %dma_start3A_141, %dma_start3A_142] : memref<32x80x128xi32, #tpu.memory_space<hbm>> -> memref<1x40x128xi32, #tpu.memory_space<hbm>>
      %dma_start3A_144 = tpu.memref_squeeze %dma_start3A_143 : memref<1x40x128xi32, #tpu.memory_space<hbm>> -> memref<40x128xi32, #tpu.memory_space<hbm>>
      tpu.enqueue_dma source(%dma_start3A_144 : memref<40x128xi32, #tpu.memory_space<hbm>>) target(%arg12 : memref<40x128xi32, #tpu.memory_space<vmem>>) target_semaphore(%run_scoped3A : memref<!tpu.dma_semaphore, #tpu.memory_space<semaphore_mem>>)
      %dma_wait3A_145 = arith.constant 0 : i32
      %dma_wait3A_146 = arith.constant 0 : i32
      %dma_wait3A_147 = tpu.memref_slice %arg4[%add3A, %dma_wait3A_145, %dma_wait3A_146] : memref<32x80x128xi32, #tpu.memory_space<hbm>> -> memref<1x40x128xi32, #tpu.memory_space<hbm>>
      %dma_wait3A_148 = tpu.memref_squeeze %dma_wait3A_147 : memref<1x40x128xi32, #tpu.memory_space<hbm>> -> memref<40x128xi32, #tpu.memory_space<hbm>>
      %dma_wait3A_149 = arith.constant 0 : i32
      %dma_wait3A_150 = arith.constant 0 : i32
      %dma_wait3A_151 = tpu.memref_slice %arg4[%add3A, %dma_wait3A_149, %dma_wait3A_150] : memref<32x80x128xi32, #tpu.memory_space<hbm>> -> memref<1x40x128xi32, #tpu.memory_space<hbm>>
      %dma_wait3A_152 = tpu.memref_squeeze %dma_wait3A_151 : memref<1x40x128xi32, #tpu.memory_space<hbm>> -> memref<40x128xi32, #tpu.memory_space<hbm>>
      tpu.wait_dma2 semaphore(%run_scoped3A : memref<!tpu.dma_semaphore, #tpu.memory_space<semaphore_mem>>) src(%dma_wait3A_152 : memref<40x128xi32, #tpu.memory_space<hbm>>) dst(%arg12 : memref<40x128xi32, #tpu.memory_space<vmem>>)
      tpu.yield
    }) : () -> ()
    %dma_start3A = arith.constant 0 : i32
    %dma_start3A_49 = arith.constant 0 : i32
    %dma_start3A_50 = tpu.memref_slice %arg11[%dma_start3A, %dma_start3A_49] : memref<40x128xi32, #tpu.memory_space<vmem>> -> memref<1x128xi32, #tpu.memory_space<vmem>>
    %dma_start3A_51 = tpu.memref_squeeze %dma_start3A_50 : memref<1x128xi32, #tpu.memory_space<vmem>> -> memref<128xi32, #tpu.memory_space<vmem>>
    %dma_start3A_52 = arith.constant 0 : i32
    %dma_start3A_53 = arith.constant 0 : i32
    %dma_start3A_54 = tpu.memref_slice %arg2[%dma_start3A_52, %dma_start3A_53] : memref<10000x128xf32, #tpu.memory_space<hbm>> -> memref<10000x128xf32, #tpu.memory_space<hbm>>
    tpu.enqueue_indirect_dma source(%dma_start3A_54 : memref<10000x128xf32, #tpu.memory_space<hbm>>) target(%arg13 : memref<128x128xf32, #tpu.memory_space<vmem>>) offsets(%dma_start3A_51 : memref<128xi32, #tpu.memory_space<vmem>>) semaphore(%arg16 : memref<!tpu.dma_semaphore, #tpu.memory_space<semaphore_mem>>)
    %dma_start3A_55 = arith.constant 1 : i32
    %dma_start3A_56 = arith.constant 0 : i32
    %dma_start3A_57 = tpu.memref_slice %arg11[%dma_start3A_55, %dma_start3A_56] : memref<40x128xi32, #tpu.memory_space<vmem>> -> memref<1x128xi32, #tpu.memory_space<vmem>>
    %dma_start3A_58 = tpu.memref_squeeze %dma_start3A_57 : memref<1x128xi32, #tpu.memory_space<vmem>> -> memref<128xi32, #tpu.memory_space<vmem>>
    %dma_start3A_59 = arith.constant 0 : i32
    %dma_start3A_60 = arith.constant 0 : i32
    %dma_start3A_61 = tpu.memref_slice %arg2[%dma_start3A_59, %dma_start3A_60] : memref<10000x128xf32, #tpu.memory_space<hbm>> -> memref<10000x128xf32, #tpu.memory_space<hbm>>
    tpu.enqueue_indirect_dma source(%dma_start3A_61 : memref<10000x128xf32, #tpu.memory_space<hbm>>) target(%arg14 : memref<128x128xf32, #tpu.memory_space<vmem>>) offsets(%dma_start3A_58 : memref<128xi32, #tpu.memory_space<vmem>>) semaphore(%arg17 : memref<!tpu.dma_semaphore, #tpu.memory_space<semaphore_mem>>)
    %scan3A = arith.constant 0 : i32
    %scan3A_62 = arith.constant 20 : i32
    %scan3A_63 = arith.addi %scan3A, %scan3A_62 : i32
    %scan3A_64 = arith.constant 1 : i32
    scf.for %scan3A_137 = %scan3A to %scan3A_63 step %scan3A_64  : i32 {
      %mul3A_138 = arith.constant 2 : i32
      %mul3A_139 = arith.muli %mul3A_138, %scan3A_137 : i32
      %add3A_140 = arith.constant 1 : i32
      %add3A_141 = arith.addi %mul3A_139, %add3A_140 : i32
      %dma_wait3A_142 = arith.constant 0 : i32
      %dma_wait3A_143 = tpu.memref_slice %arg11[%mul3A_139, %dma_wait3A_142] : memref<40x128xi32, #tpu.memory_space<vmem>> -> memref<1x128xi32, #tpu.memory_space<vmem>>
      %dma_wait3A_144 = tpu.memref_squeeze %dma_wait3A_143 : memref<1x128xi32, #tpu.memory_space<vmem>> -> memref<128xi32, #tpu.memory_space<vmem>>
      %dma_wait3A_145 = arith.constant 0 : i32
      %dma_wait3A_146 = arith.constant 0 : i32
      %dma_wait3A_147 = tpu.memref_slice %arg2[%dma_wait3A_145, %dma_wait3A_146] : memref<10000x128xf32, #tpu.memory_space<hbm>> -> memref<10000x128xf32, #tpu.memory_space<hbm>>
      tpu.wait_indirect_dma semaphore(%arg16 : memref<!tpu.dma_semaphore, #tpu.memory_space<semaphore_mem>>) src(%dma_wait3A_147 : memref<10000x128xf32, #tpu.memory_space<hbm>>) dst(%arg13 : memref<128x128xf32, #tpu.memory_space<vmem>>)
      %dma_start3A_148 = arith.constant 0 : i32
      %dma_start3A_149 = tpu.memref_slice %arg12[%mul3A_139, %dma_start3A_148] : memref<40x128xi32, #tpu.memory_space<vmem>> -> memref<1x128xi32, #tpu.memory_space<vmem>>
      %dma_start3A_150 = tpu.memref_squeeze %dma_start3A_149 : memref<1x128xi32, #tpu.memory_space<vmem>> -> memref<128xi32, #tpu.memory_space<vmem>>
      %dma_start3A_151 = arith.constant 0 : i32
      %dma_start3A_152 = arith.constant 0 : i32
      %dma_start3A_153 = tpu.memref_slice %arg9[%dma_start3A_151, %dma_start3A_152] : memref<10240x128xf32, #tpu.memory_space<vmem_shared>> -> memref<10240x128xf32, #tpu.memory_space<vmem_shared>>
      tpu.enqueue_indirect_dma source(%arg13 : memref<128x128xf32, #tpu.memory_space<vmem>>) target(%dma_start3A_153 : memref<10240x128xf32, #tpu.memory_space<vmem_shared>>) offsets(%dma_start3A_150 : memref<128xi32, #tpu.memory_space<vmem>>) semaphore(%arg18 : memref<!tpu.dma_semaphore, #tpu.memory_space<semaphore_mem>>) {add = true}
      %dma_start3A_154 = arith.constant 0 : i32
      %dma_start3A_155 = tpu.memref_slice %arg12[%mul3A_139, %dma_start3A_154] : memref<40x128xi32, #tpu.memory_space<vmem>> -> memref<1x128xi32, #tpu.memory_space<vmem>>
      %dma_start3A_156 = tpu.memref_squeeze %dma_start3A_155 : memref<1x128xi32, #tpu.memory_space<vmem>> -> memref<128xi32, #tpu.memory_space<vmem>>
      %dma_start3A_157 = arith.constant 0 : i32
      %dma_start3A_158 = tpu.memref_slice %arg10[%dma_start3A_157] : memref<10240xf32, #tpu.memory_space<vmem_shared>> -> memref<10240xf32, #tpu.memory_space<vmem_shared>>
      tpu.enqueue_indirect_dma source(%arg15 : memref<128xf32, #tpu.memory_space<vmem>>) target(%dma_start3A_158 : memref<10240xf32, #tpu.memory_space<vmem_shared>>) offsets(%dma_start3A_156 : memref<128xi32, #tpu.memory_space<vmem>>) semaphore(%arg20 : memref<!tpu.dma_semaphore, #tpu.memory_space<semaphore_mem>>) {add = true}
      %dma_wait3A_159 = arith.constant 0 : i32
      %dma_wait3A_160 = tpu.memref_slice %arg11[%add3A_141, %dma_wait3A_159] : memref<40x128xi32, #tpu.memory_space<vmem>> -> memref<1x128xi32, #tpu.memory_space<vmem>>
      %dma_wait3A_161 = tpu.memref_squeeze %dma_wait3A_160 : memref<1x128xi32, #tpu.memory_space<vmem>> -> memref<128xi32, #tpu.memory_space<vmem>>
      %dma_wait3A_162 = arith.constant 0 : i32
      %dma_wait3A_163 = arith.constant 0 : i32
      %dma_wait3A_164 = tpu.memref_slice %arg2[%dma_wait3A_162, %dma_wait3A_163] : memref<10000x128xf32, #tpu.memory_space<hbm>> -> memref<10000x128xf32, #tpu.memory_space<hbm>>
      tpu.wait_indirect_dma semaphore(%arg17 : memref<!tpu.dma_semaphore, #tpu.memory_space<semaphore_mem>>) src(%dma_wait3A_164 : memref<10000x128xf32, #tpu.memory_space<hbm>>) dst(%arg14 : memref<128x128xf32, #tpu.memory_space<vmem>>)
      %dma_start3A_165 = arith.constant 0 : i32
      %dma_start3A_166 = tpu.memref_slice %arg12[%add3A_141, %dma_start3A_165] : memref<40x128xi32, #tpu.memory_space<vmem>> -> memref<1x128xi32, #tpu.memory_space<vmem>>
      %dma_start3A_167 = tpu.memref_squeeze %dma_start3A_166 : memref<1x128xi32, #tpu.memory_space<vmem>> -> memref<128xi32, #tpu.memory_space<vmem>>
      %dma_start3A_168 = arith.constant 0 : i32
      %dma_start3A_169 = arith.constant 0 : i32
      %dma_start3A_170 = tpu.memref_slice %arg9[%dma_start3A_168, %dma_start3A_169] : memref<10240x128xf32, #tpu.memory_space<vmem_shared>> -> memref<10240x128xf32, #tpu.memory_space<vmem_shared>>
      tpu.enqueue_indirect_dma source(%arg14 : memref<128x128xf32, #tpu.memory_space<vmem>>) target(%dma_start3A_170 : memref<10240x128xf32, #tpu.memory_space<vmem_shared>>) offsets(%dma_start3A_167 : memref<128xi32, #tpu.memory_space<vmem>>) semaphore(%arg19 : memref<!tpu.dma_semaphore, #tpu.memory_space<semaphore_mem>>) {add = true}
      %dma_start3A_171 = arith.constant 0 : i32
      %dma_start3A_172 = tpu.memref_slice %arg12[%add3A_141, %dma_start3A_171] : memref<40x128xi32, #tpu.memory_space<vmem>> -> memref<1x128xi32, #tpu.memory_space<vmem>>
      %dma_start3A_173 = tpu.memref_squeeze %dma_start3A_172 : memref<1x128xi32, #tpu.memory_space<vmem>> -> memref<128xi32, #tpu.memory_space<vmem>>
      %dma_start3A_174 = arith.constant 0 : i32
      %dma_start3A_175 = tpu.memref_slice %arg10[%dma_start3A_174] : memref<10240xf32, #tpu.memory_space<vmem_shared>> -> memref<10240xf32, #tpu.memory_space<vmem_shared>>
      tpu.enqueue_indirect_dma source(%arg15 : memref<128xf32, #tpu.memory_space<vmem>>) target(%dma_start3A_175 : memref<10240xf32, #tpu.memory_space<vmem_shared>>) offsets(%dma_start3A_173 : memref<128xi32, #tpu.memory_space<vmem>>) semaphore(%arg21 : memref<!tpu.dma_semaphore, #tpu.memory_space<semaphore_mem>>) {add = true}
      %add3A_176 = arith.constant 1 : i32
      %add3A_177 = arith.addi %scan3A_137, %add3A_176 : i32
      %lt3A = arith.constant 20 : i32
      %lt3A_178 = arith.cmpi slt, %add3A_177, %lt3A : i32
      %convert_element_type3A = arith.extui %lt3A_178 : i1 to i32
      %cond3A = arith.constant 0 : i32
      %cond3A_179 = arith.cmpi ne, %convert_element_type3A, %cond3A : i32
      scf.if %cond3A_179 {
        %dma_wait3A_180 = arith.constant 0 : i32
        %dma_wait3A_181 = tpu.memref_slice %arg12[%mul3A_139, %dma_wait3A_180] : memref<40x128xi32, #tpu.memory_space<vmem>> -> memref<1x128xi32, #tpu.memory_space<vmem>>
        %dma_wait3A_182 = tpu.memref_squeeze %dma_wait3A_181 : memref<1x128xi32, #tpu.memory_space<vmem>> -> memref<128xi32, #tpu.memory_space<vmem>>
        %dma_wait3A_183 = arith.constant 0 : i32
        %dma_wait3A_184 = arith.constant 0 : i32
        %dma_wait3A_185 = tpu.memref_slice %arg9[%dma_wait3A_183, %dma_wait3A_184] : memref<10240x128xf32, #tpu.memory_space<vmem_shared>> -> memref<10240x128xf32, #tpu.memory_space<vmem_shared>>
        tpu.wait_indirect_dma semaphore(%arg18 : memref<!tpu.dma_semaphore, #tpu.memory_space<semaphore_mem>>) src(%arg13 : memref<128x128xf32, #tpu.memory_space<vmem>>) dst(%dma_wait3A_185 : memref<10240x128xf32, #tpu.memory_space<vmem_shared>>)
        %dma_wait3A_186 = arith.constant 0 : i32
        %dma_wait3A_187 = tpu.memref_slice %arg12[%mul3A_139, %dma_wait3A_186] : memref<40x128xi32, #tpu.memory_space<vmem>> -> memref<1x128xi32, #tpu.memory_space<vmem>>
        %dma_wait3A_188 = tpu.memref_squeeze %dma_wait3A_187 : memref<1x128xi32, #tpu.memory_space<vmem>> -> memref<128xi32, #tpu.memory_space<vmem>>
        %dma_wait3A_189 = arith.constant 0 : i32
        %dma_wait3A_190 = tpu.memref_slice %arg10[%dma_wait3A_189] : memref<10240xf32, #tpu.memory_space<vmem_shared>> -> memref<10240xf32, #tpu.memory_space<vmem_shared>>
        tpu.wait_indirect_dma semaphore(%arg20 : memref<!tpu.dma_semaphore, #tpu.memory_space<semaphore_mem>>) src(%arg15 : memref<128xf32, #tpu.memory_space<vmem>>) dst(%dma_wait3A_190 : memref<10240xf32, #tpu.memory_space<vmem_shared>>)
        %add3A_191 = arith.constant 2 : i32
        %add3A_192 = arith.addi %mul3A_139, %add3A_191 : i32
        %dma_start3A_193 = arith.constant 0 : i32
        %dma_start3A_194 = tpu.memref_slice %arg11[%add3A_192, %dma_start3A_193] : memref<40x128xi32, #tpu.memory_space<vmem>> -> memref<1x128xi32, #tpu.memory_space<vmem>>
        %dma_start3A_195 = tpu.memref_squeeze %dma_start3A_194 : memref<1x128xi32, #tpu.memory_space<vmem>> -> memref<128xi32, #tpu.memory_space<vmem>>
        %dma_start3A_196 = arith.constant 0 : i32
        %dma_start3A_197 = arith.constant 0 : i32
        %dma_start3A_198 = tpu.memref_slice %arg2[%dma_start3A_196, %dma_start3A_197] : memref<10000x128xf32, #tpu.memory_space<hbm>> -> memref<10000x128xf32, #tpu.memory_space<hbm>>
        tpu.enqueue_indirect_dma source(%dma_start3A_198 : memref<10000x128xf32, #tpu.memory_space<hbm>>) target(%arg13 : memref<128x128xf32, #tpu.memory_space<vmem>>) offsets(%dma_start3A_195 : memref<128xi32, #tpu.memory_space<vmem>>) semaphore(%arg16 : memref<!tpu.dma_semaphore, #tpu.memory_space<semaphore_mem>>)
        %dma_wait3A_199 = arith.constant 0 : i32
        %dma_wait3A_200 = tpu.memref_slice %arg12[%add3A_141, %dma_wait3A_199] : memref<40x128xi32, #tpu.memory_space<vmem>> -> memref<1x128xi32, #tpu.memory_space<vmem>>
        %dma_wait3A_201 = tpu.memref_squeeze %dma_wait3A_200 : memref<1x128xi32, #tpu.memory_space<vmem>> -> memref<128xi32, #tpu.memory_space<vmem>>
        %dma_wait3A_202 = arith.constant 0 : i32
        %dma_wait3A_203 = arith.constant 0 : i32
        %dma_wait3A_204 = tpu.memref_slice %arg9[%dma_wait3A_202, %dma_wait3A_203] : memref<10240x128xf32, #tpu.memory_space<vmem_shared>> -> memref<10240x128xf32, #tpu.memory_space<vmem_shared>>
        tpu.wait_indirect_dma semaphore(%arg19 : memref<!tpu.dma_semaphore, #tpu.memory_space<semaphore_mem>>) src(%arg14 : memref<128x128xf32, #tpu.memory_space<vmem>>) dst(%dma_wait3A_204 : memref<10240x128xf32, #tpu.memory_space<vmem_shared>>)
        %dma_wait3A_205 = arith.constant 0 : i32
        %dma_wait3A_206 = tpu.memref_slice %arg12[%add3A_141, %dma_wait3A_205] : memref<40x128xi32, #tpu.memory_space<vmem>> -> memref<1x128xi32, #tpu.memory_space<vmem>>
        %dma_wait3A_207 = tpu.memref_squeeze %dma_wait3A_206 : memref<1x128xi32, #tpu.memory_space<vmem>> -> memref<128xi32, #tpu.memory_space<vmem>>
        %dma_wait3A_208 = arith.constant 0 : i32
        %dma_wait3A_209 = tpu.memref_slice %arg10[%dma_wait3A_208] : memref<10240xf32, #tpu.memory_space<vmem_shared>> -> memref<10240xf32, #tpu.memory_space<vmem_shared>>
        tpu.wait_indirect_dma semaphore(%arg21 : memref<!tpu.dma_semaphore, #tpu.memory_space<semaphore_mem>>) src(%arg15 : memref<128xf32, #tpu.memory_space<vmem>>) dst(%dma_wait3A_209 : memref<10240xf32, #tpu.memory_space<vmem_shared>>)
        %add3A_210 = arith.constant 2 : i32
        %add3A_211 = arith.addi %add3A_141, %add3A_210 : i32
        %dma_start3A_212 = arith.constant 0 : i32
        %dma_start3A_213 = tpu.memref_slice %arg11[%add3A_211, %dma_start3A_212] : memref<40x128xi32, #tpu.memory_space<vmem>> -> memref<1x128xi32, #tpu.memory_space<vmem>>
        %dma_start3A_214 = tpu.memref_squeeze %dma_start3A_213 : memref<1x128xi32, #tpu.memory_space<vmem>> -> memref<128xi32, #tpu.memory_space<vmem>>
        %dma_start3A_215 = arith.constant 0 : i32
        %dma_start3A_216 = arith.constant 0 : i32
        %dma_start3A_217 = tpu.memref_slice %arg2[%dma_start3A_215, %dma_start3A_216] : memref<10000x128xf32, #tpu.memory_space<hbm>> -> memref<10000x128xf32, #tpu.memory_space<hbm>>
        tpu.enqueue_indirect_dma source(%dma_start3A_217 : memref<10000x128xf32, #tpu.memory_space<hbm>>) target(%arg14 : memref<128x128xf32, #tpu.memory_space<vmem>>) offsets(%dma_start3A_214 : memref<128xi32, #tpu.memory_space<vmem>>) semaphore(%arg17 : memref<!tpu.dma_semaphore, #tpu.memory_space<semaphore_mem>>)
      } else {
      }
    }
    %scan3A_65 = arith.constant 20 : i32
    %dma_wait3A = arith.constant 38 : i32
    %dma_wait3A_66 = arith.constant 0 : i32
    %dma_wait3A_67 = tpu.memref_slice %arg12[%dma_wait3A, %dma_wait3A_66] : memref<40x128xi32, #tpu.memory_space<vmem>> -> memref<1x128xi32, #tpu.memory_space<vmem>>
    %dma_wait3A_68 = tpu.memref_squeeze %dma_wait3A_67 : memref<1x128xi32, #tpu.memory_space<vmem>> -> memref<128xi32, #tpu.memory_space<vmem>>
    %dma_wait3A_69 = arith.constant 0 : i32
    %dma_wait3A_70 = arith.constant 0 : i32
    %dma_wait3A_71 = tpu.memref_slice %arg9[%dma_wait3A_69, %dma_wait3A_70] : memref<10240x128xf32, #tpu.memory_space<vmem_shared>> -> memref<10240x128xf32, #tpu.memory_space<vmem_shared>>
    tpu.wait_indirect_dma semaphore(%arg18 : memref<!tpu.dma_semaphore, #tpu.memory_space<semaphore_mem>>) src(%arg13 : memref<128x128xf32, #tpu.memory_space<vmem>>) dst(%dma_wait3A_71 : memref<10240x128xf32, #tpu.memory_space<vmem_shared>>)
    %dma_wait3A_72 = arith.constant 38 : i32
    %dma_wait3A_73 = arith.constant 0 : i32
    %dma_wait3A_74 = tpu.memref_slice %arg12[%dma_wait3A_72, %dma_wait3A_73] : memref<40x128xi32, #tpu.memory_space<vmem>> -> memref<1x128xi32, #tpu.memory_space<vmem>>
    %dma_wait3A_75 = tpu.memref_squeeze %dma_wait3A_74 : memref<1x128xi32, #tpu.memory_space<vmem>> -> memref<128xi32, #tpu.memory_space<vmem>>
    %dma_wait3A_76 = arith.constant 0 : i32
    %dma_wait3A_77 = tpu.memref_slice %arg10[%dma_wait3A_76] : memref<10240xf32, #tpu.memory_space<vmem_shared>> -> memref<10240xf32, #tpu.memory_space<vmem_shared>>
    tpu.wait_indirect_dma semaphore(%arg20 : memref<!tpu.dma_semaphore, #tpu.memory_space<semaphore_mem>>) src(%arg15 : memref<128xf32, #tpu.memory_space<vmem>>) dst(%dma_wait3A_77 : memref<10240xf32, #tpu.memory_space<vmem_shared>>)
    %dma_wait3A_78 = arith.constant 39 : i32
    %dma_wait3A_79 = arith.constant 0 : i32
    %dma_wait3A_80 = tpu.memref_slice %arg12[%dma_wait3A_78, %dma_wait3A_79] : memref<40x128xi32, #tpu.memory_space<vmem>> -> memref<1x128xi32, #tpu.memory_space<vmem>>
    %dma_wait3A_81 = tpu.memref_squeeze %dma_wait3A_80 : memref<1x128xi32, #tpu.memory_space<vmem>> -> memref<128xi32, #tpu.memory_space<vmem>>
    %dma_wait3A_82 = arith.constant 0 : i32
    %dma_wait3A_83 = arith.constant 0 : i32
    %dma_wait3A_84 = tpu.memref_slice %arg9[%dma_wait3A_82, %dma_wait3A_83] : memref<10240x128xf32, #tpu.memory_space<vmem_shared>> -> memref<10240x128xf32, #tpu.memory_space<vmem_shared>>
    tpu.wait_indirect_dma semaphore(%arg19 : memref<!tpu.dma_semaphore, #tpu.memory_space<semaphore_mem>>) src(%arg14 : memref<128x128xf32, #tpu.memory_space<vmem>>) dst(%dma_wait3A_84 : memref<10240x128xf32, #tpu.memory_space<vmem_shared>>)
    %dma_wait3A_85 = arith.constant 39 : i32
    %dma_wait3A_86 = arith.constant 0 : i32
    %dma_wait3A_87 = tpu.memref_slice %arg12[%dma_wait3A_85, %dma_wait3A_86] : memref<40x128xi32, #tpu.memory_space<vmem>> -> memref<1x128xi32, #tpu.memory_space<vmem>>
    %dma_wait3A_88 = tpu.memref_squeeze %dma_wait3A_87 : memref<1x128xi32, #tpu.memory_space<vmem>> -> memref<128xi32, #tpu.memory_space<vmem>>
    %dma_wait3A_89 = arith.constant 0 : i32
    %dma_wait3A_90 = tpu.memref_slice %arg10[%dma_wait3A_89] : memref<10240xf32, #tpu.memory_space<vmem_shared>> -> memref<10240xf32, #tpu.memory_space<vmem_shared>>
    tpu.wait_indirect_dma semaphore(%arg21 : memref<!tpu.dma_semaphore, #tpu.memory_space<semaphore_mem>>) src(%arg15 : memref<128xf32, #tpu.memory_space<vmem>>) dst(%dma_wait3A_90 : memref<10240xf32, #tpu.memory_space<vmem_shared>>)
    "tpu.region"() ({
      %run_scoped3A = tpu.sem_alloc : memref<!tpu.dma_semaphore, #tpu.memory_space<semaphore_mem>>
      %dma_start3A_137 = arith.constant 40 : i32
      %dma_start3A_138 = arith.constant 0 : i32
      %dma_start3A_139 = tpu.memref_slice %arg3[%add3A, %dma_start3A_137, %dma_start3A_138] : memref<32x80x128xi32, #tpu.memory_space<hbm>> -> memref<1x40x128xi32, #tpu.memory_space<hbm>>
      %dma_start3A_140 = tpu.memref_squeeze %dma_start3A_139 : memref<1x40x128xi32, #tpu.memory_space<hbm>> -> memref<40x128xi32, #tpu.memory_space<hbm>>
      %dma_start3A_141 = arith.constant 40 : i32
      %dma_start3A_142 = arith.constant 0 : i32
      %dma_start3A_143 = tpu.memref_slice %arg3[%add3A, %dma_start3A_141, %dma_start3A_142] : memref<32x80x128xi32, #tpu.memory_space<hbm>> -> memref<1x40x128xi32, #tpu.memory_space<hbm>>
      %dma_start3A_144 = tpu.memref_squeeze %dma_start3A_143 : memref<1x40x128xi32, #tpu.memory_space<hbm>> -> memref<40x128xi32, #tpu.memory_space<hbm>>
      tpu.enqueue_dma source(%dma_start3A_144 : memref<40x128xi32, #tpu.memory_space<hbm>>) target(%arg11 : memref<40x128xi32, #tpu.memory_space<vmem>>) target_semaphore(%run_scoped3A : memref<!tpu.dma_semaphore, #tpu.memory_space<semaphore_mem>>)
      %dma_wait3A_145 = arith.constant 40 : i32
      %dma_wait3A_146 = arith.constant 0 : i32
      %dma_wait3A_147 = tpu.memref_slice %arg3[%add3A, %dma_wait3A_145, %dma_wait3A_146] : memref<32x80x128xi32, #tpu.memory_space<hbm>> -> memref<1x40x128xi32, #tpu.memory_space<hbm>>
      %dma_wait3A_148 = tpu.memref_squeeze %dma_wait3A_147 : memref<1x40x128xi32, #tpu.memory_space<hbm>> -> memref<40x128xi32, #tpu.memory_space<hbm>>
      %dma_wait3A_149 = arith.constant 40 : i32
      %dma_wait3A_150 = arith.constant 0 : i32
      %dma_wait3A_151 = tpu.memref_slice %arg3[%add3A, %dma_wait3A_149, %dma_wait3A_150] : memref<32x80x128xi32, #tpu.memory_space<hbm>> -> memref<1x40x128xi32, #tpu.memory_space<hbm>>
      %dma_wait3A_152 = tpu.memref_squeeze %dma_wait3A_151 : memref<1x40x128xi32, #tpu.memory_space<hbm>> -> memref<40x128xi32, #tpu.memory_space<hbm>>
      tpu.wait_dma2 semaphore(%run_scoped3A : memref<!tpu.dma_semaphore, #tpu.memory_space<semaphore_mem>>) src(%dma_wait3A_152 : memref<40x128xi32, #tpu.memory_space<hbm>>) dst(%arg11 : memref<40x128xi32, #tpu.memory_space<vmem>>)
      tpu.yield
    }) : () -> ()
    "tpu.region"() ({
      %run_scoped3A = tpu.sem_alloc : memref<!tpu.dma_semaphore, #tpu.memory_space<semaphore_mem>>
      %dma_start3A_137 = arith.constant 40 : i32
      %dma_start3A_138 = arith.constant 0 : i32
      %dma_start3A_139 = tpu.memref_slice %arg4[%add3A, %dma_start3A_137, %dma_start3A_138] : memref<32x80x128xi32, #tpu.memory_space<hbm>> -> memref<1x40x128xi32, #tpu.memory_space<hbm>>
      %dma_start3A_140 = tpu.memref_squeeze %dma_start3A_139 : memref<1x40x128xi32, #tpu.memory_space<hbm>> -> memref<40x128xi32, #tpu.memory_space<hbm>>
      %dma_start3A_141 = arith.constant 40 : i32
      %dma_start3A_142 = arith.constant 0 : i32
      %dma_start3A_143 = tpu.memref_slice %arg4[%add3A, %dma_start3A_141, %dma_start3A_142] : memref<32x80x128xi32, #tpu.memory_space<hbm>> -> memref<1x40x128xi32, #tpu.memory_space<hbm>>
      %dma_start3A_144 = tpu.memref_squeeze %dma_start3A_143 : memref<1x40x128xi32, #tpu.memory_space<hbm>> -> memref<40x128xi32, #tpu.memory_space<hbm>>
      tpu.enqueue_dma source(%dma_start3A_144 : memref<40x128xi32, #tpu.memory_space<hbm>>) target(%arg12 : memref<40x128xi32, #tpu.memory_space<vmem>>) target_semaphore(%run_scoped3A : memref<!tpu.dma_semaphore, #tpu.memory_space<semaphore_mem>>)
      %dma_wait3A_145 = arith.constant 40 : i32
      %dma_wait3A_146 = arith.constant 0 : i32
      %dma_wait3A_147 = tpu.memref_slice %arg4[%add3A, %dma_wait3A_145, %dma_wait3A_146] : memref<32x80x128xi32, #tpu.memory_space<hbm>> -> memref<1x40x128xi32, #tpu.memory_space<hbm>>
      %dma_wait3A_148 = tpu.memref_squeeze %dma_wait3A_147 : memref<1x40x128xi32, #tpu.memory_space<hbm>> -> memref<40x128xi32, #tpu.memory_space<hbm>>
      %dma_wait3A_149 = arith.constant 40 : i32
      %dma_wait3A_150 = arith.constant 0 : i32
      %dma_wait3A_151 = tpu.memref_slice %arg4[%add3A, %dma_wait3A_149, %dma_wait3A_150] : memref<32x80x128xi32, #tpu.memory_space<hbm>> -> memref<1x40x128xi32, #tpu.memory_space<hbm>>
      %dma_wait3A_152 = tpu.memref_squeeze %dma_wait3A_151 : memref<1x40x128xi32, #tpu.memory_space<hbm>> -> memref<40x128xi32, #tpu.memory_space<hbm>>
      tpu.wait_dma2 semaphore(%run_scoped3A : memref<!tpu.dma_semaphore, #tpu.memory_space<semaphore_mem>>) src(%dma_wait3A_152 : memref<40x128xi32, #tpu.memory_space<hbm>>) dst(%arg12 : memref<40x128xi32, #tpu.memory_space<vmem>>)
      tpu.yield
    }) : () -> ()
    %dma_start3A_91 = arith.constant 0 : i32
    %dma_start3A_92 = arith.constant 0 : i32
    %dma_start3A_93 = tpu.memref_slice %arg11[%dma_start3A_91, %dma_start3A_92] : memref<40x128xi32, #tpu.memory_space<vmem>> -> memref<1x128xi32, #tpu.memory_space<vmem>>
    %dma_start3A_94 = tpu.memref_squeeze %dma_start3A_93 : memref<1x128xi32, #tpu.memory_space<vmem>> -> memref<128xi32, #tpu.memory_space<vmem>>
    %dma_start3A_95 = arith.constant 0 : i32
    %dma_start3A_96 = arith.constant 0 : i32
    %dma_start3A_97 = tpu.memref_slice %arg2[%dma_start3A_95, %dma_start3A_96] : memref<10000x128xf32, #tpu.memory_space<hbm>> -> memref<10000x128xf32, #tpu.memory_space<hbm>>
    tpu.enqueue_indirect_dma source(%dma_start3A_97 : memref<10000x128xf32, #tpu.memory_space<hbm>>) target(%arg13 : memref<128x128xf32, #tpu.memory_space<vmem>>) offsets(%dma_start3A_94 : memref<128xi32, #tpu.memory_space<vmem>>) semaphore(%arg16 : memref<!tpu.dma_semaphore, #tpu.memory_space<semaphore_mem>>)
    %dma_start3A_98 = arith.constant 1 : i32
    %dma_start3A_99 = arith.constant 0 : i32
    %dma_start3A_100 = tpu.memref_slice %arg11[%dma_start3A_98, %dma_start3A_99] : memref<40x128xi32, #tpu.memory_space<vmem>> -> memref<1x128xi32, #tpu.memory_space<vmem>>
    %dma_start3A_101 = tpu.memref_squeeze %dma_start3A_100 : memref<1x128xi32, #tpu.memory_space<vmem>> -> memref<128xi32, #tpu.memory_space<vmem>>
    %dma_start3A_102 = arith.constant 0 : i32
    %dma_start3A_103 = arith.constant 0 : i32
    %dma_start3A_104 = tpu.memref_slice %arg2[%dma_start3A_102, %dma_start3A_103] : memref<10000x128xf32, #tpu.memory_space<hbm>> -> memref<10000x128xf32, #tpu.memory_space<hbm>>
    tpu.enqueue_indirect_dma source(%dma_start3A_104 : memref<10000x128xf32, #tpu.memory_space<hbm>>) target(%arg14 : memref<128x128xf32, #tpu.memory_space<vmem>>) offsets(%dma_start3A_101 : memref<128xi32, #tpu.memory_space<vmem>>) semaphore(%arg17 : memref<!tpu.dma_semaphore, #tpu.memory_space<semaphore_mem>>)
    %scan3A_105 = arith.constant 0 : i32
    %scan3A_106 = arith.constant 20 : i32
    %scan3A_107 = arith.addi %scan3A_105, %scan3A_106 : i32
    %scan3A_108 = arith.constant 1 : i32
    scf.for %scan3A_137 = %scan3A_105 to %scan3A_107 step %scan3A_108  : i32 {
      %mul3A_138 = arith.constant 2 : i32
      %mul3A_139 = arith.muli %mul3A_138, %scan3A_137 : i32
      %add3A_140 = arith.constant 1 : i32
      %add3A_141 = arith.addi %mul3A_139, %add3A_140 : i32
      %dma_wait3A_142 = arith.constant 0 : i32
      %dma_wait3A_143 = tpu.memref_slice %arg11[%mul3A_139, %dma_wait3A_142] : memref<40x128xi32, #tpu.memory_space<vmem>> -> memref<1x128xi32, #tpu.memory_space<vmem>>
      %dma_wait3A_144 = tpu.memref_squeeze %dma_wait3A_143 : memref<1x128xi32, #tpu.memory_space<vmem>> -> memref<128xi32, #tpu.memory_space<vmem>>
      %dma_wait3A_145 = arith.constant 0 : i32
      %dma_wait3A_146 = arith.constant 0 : i32
      %dma_wait3A_147 = tpu.memref_slice %arg2[%dma_wait3A_145, %dma_wait3A_146] : memref<10000x128xf32, #tpu.memory_space<hbm>> -> memref<10000x128xf32, #tpu.memory_space<hbm>>
      tpu.wait_indirect_dma semaphore(%arg16 : memref<!tpu.dma_semaphore, #tpu.memory_space<semaphore_mem>>) src(%dma_wait3A_147 : memref<10000x128xf32, #tpu.memory_space<hbm>>) dst(%arg13 : memref<128x128xf32, #tpu.memory_space<vmem>>)
      %dma_start3A_148 = arith.constant 0 : i32
      %dma_start3A_149 = tpu.memref_slice %arg12[%mul3A_139, %dma_start3A_148] : memref<40x128xi32, #tpu.memory_space<vmem>> -> memref<1x128xi32, #tpu.memory_space<vmem>>
      %dma_start3A_150 = tpu.memref_squeeze %dma_start3A_149 : memref<1x128xi32, #tpu.memory_space<vmem>> -> memref<128xi32, #tpu.memory_space<vmem>>
      %dma_start3A_151 = arith.constant 0 : i32
      %dma_start3A_152 = arith.constant 0 : i32
      %dma_start3A_153 = tpu.memref_slice %arg9[%dma_start3A_151, %dma_start3A_152] : memref<10240x128xf32, #tpu.memory_space<vmem_shared>> -> memref<10240x128xf32, #tpu.memory_space<vmem_shared>>
      tpu.enqueue_indirect_dma source(%arg13 : memref<128x128xf32, #tpu.memory_space<vmem>>) target(%dma_start3A_153 : memref<10240x128xf32, #tpu.memory_space<vmem_shared>>) offsets(%dma_start3A_150 : memref<128xi32, #tpu.memory_space<vmem>>) semaphore(%arg18 : memref<!tpu.dma_semaphore, #tpu.memory_space<semaphore_mem>>) {add = true}
      %dma_start3A_154 = arith.constant 0 : i32
      %dma_start3A_155 = tpu.memref_slice %arg12[%mul3A_139, %dma_start3A_154] : memref<40x128xi32, #tpu.memory_space<vmem>> -> memref<1x128xi32, #tpu.memory_space<vmem>>
      %dma_start3A_156 = tpu.memref_squeeze %dma_start3A_155 : memref<1x128xi32, #tpu.memory_space<vmem>> -> memref<128xi32, #tpu.memory_space<vmem>>
      %dma_start3A_157 = arith.constant 0 : i32
      %dma_start3A_158 = tpu.memref_slice %arg10[%dma_start3A_157] : memref<10240xf32, #tpu.memory_space<vmem_shared>> -> memref<10240xf32, #tpu.memory_space<vmem_shared>>
      tpu.enqueue_indirect_dma source(%arg15 : memref<128xf32, #tpu.memory_space<vmem>>) target(%dma_start3A_158 : memref<10240xf32, #tpu.memory_space<vmem_shared>>) offsets(%dma_start3A_156 : memref<128xi32, #tpu.memory_space<vmem>>) semaphore(%arg20 : memref<!tpu.dma_semaphore, #tpu.memory_space<semaphore_mem>>) {add = true}
      %dma_wait3A_159 = arith.constant 0 : i32
      %dma_wait3A_160 = tpu.memref_slice %arg11[%add3A_141, %dma_wait3A_159] : memref<40x128xi32, #tpu.memory_space<vmem>> -> memref<1x128xi32, #tpu.memory_space<vmem>>
      %dma_wait3A_161 = tpu.memref_squeeze %dma_wait3A_160 : memref<1x128xi32, #tpu.memory_space<vmem>> -> memref<128xi32, #tpu.memory_space<vmem>>
      %dma_wait3A_162 = arith.constant 0 : i32
      %dma_wait3A_163 = arith.constant 0 : i32
      %dma_wait3A_164 = tpu.memref_slice %arg2[%dma_wait3A_162, %dma_wait3A_163] : memref<10000x128xf32, #tpu.memory_space<hbm>> -> memref<10000x128xf32, #tpu.memory_space<hbm>>
      tpu.wait_indirect_dma semaphore(%arg17 : memref<!tpu.dma_semaphore, #tpu.memory_space<semaphore_mem>>) src(%dma_wait3A_164 : memref<10000x128xf32, #tpu.memory_space<hbm>>) dst(%arg14 : memref<128x128xf32, #tpu.memory_space<vmem>>)
      %dma_start3A_165 = arith.constant 0 : i32
      %dma_start3A_166 = tpu.memref_slice %arg12[%add3A_141, %dma_start3A_165] : memref<40x128xi32, #tpu.memory_space<vmem>> -> memref<1x128xi32, #tpu.memory_space<vmem>>
      %dma_start3A_167 = tpu.memref_squeeze %dma_start3A_166 : memref<1x128xi32, #tpu.memory_space<vmem>> -> memref<128xi32, #tpu.memory_space<vmem>>
      %dma_start3A_168 = arith.constant 0 : i32
      %dma_start3A_169 = arith.constant 0 : i32
      %dma_start3A_170 = tpu.memref_slice %arg9[%dma_start3A_168, %dma_start3A_169] : memref<10240x128xf32, #tpu.memory_space<vmem_shared>> -> memref<10240x128xf32, #tpu.memory_space<vmem_shared>>
      tpu.enqueue_indirect_dma source(%arg14 : memref<128x128xf32, #tpu.memory_space<vmem>>) target(%dma_start3A_170 : memref<10240x128xf32, #tpu.memory_space<vmem_shared>>) offsets(%dma_start3A_167 : memref<128xi32, #tpu.memory_space<vmem>>) semaphore(%arg19 : memref<!tpu.dma_semaphore, #tpu.memory_space<semaphore_mem>>) {add = true}
      %dma_start3A_171 = arith.constant 0 : i32
      %dma_start3A_172 = tpu.memref_slice %arg12[%add3A_141, %dma_start3A_171] : memref<40x128xi32, #tpu.memory_space<vmem>> -> memref<1x128xi32, #tpu.memory_space<vmem>>
      %dma_start3A_173 = tpu.memref_squeeze %dma_start3A_172 : memref<1x128xi32, #tpu.memory_space<vmem>> -> memref<128xi32, #tpu.memory_space<vmem>>
      %dma_start3A_174 = arith.constant 0 : i32
      %dma_start3A_175 = tpu.memref_slice %arg10[%dma_start3A_174] : memref<10240xf32, #tpu.memory_space<vmem_shared>> -> memref<10240xf32, #tpu.memory_space<vmem_shared>>
      tpu.enqueue_indirect_dma source(%arg15 : memref<128xf32, #tpu.memory_space<vmem>>) target(%dma_start3A_175 : memref<10240xf32, #tpu.memory_space<vmem_shared>>) offsets(%dma_start3A_173 : memref<128xi32, #tpu.memory_space<vmem>>) semaphore(%arg21 : memref<!tpu.dma_semaphore, #tpu.memory_space<semaphore_mem>>) {add = true}
      %add3A_176 = arith.constant 1 : i32
      %add3A_177 = arith.addi %scan3A_137, %add3A_176 : i32
      %lt3A = arith.constant 20 : i32
      %lt3A_178 = arith.cmpi slt, %add3A_177, %lt3A : i32
      %convert_element_type3A = arith.extui %lt3A_178 : i1 to i32
      %cond3A = arith.constant 0 : i32
      %cond3A_179 = arith.cmpi ne, %convert_element_type3A, %cond3A : i32
      scf.if %cond3A_179 {
        %dma_wait3A_180 = arith.constant 0 : i32
        %dma_wait3A_181 = tpu.memref_slice %arg12[%mul3A_139, %dma_wait3A_180] : memref<40x128xi32, #tpu.memory_space<vmem>> -> memref<1x128xi32, #tpu.memory_space<vmem>>
        %dma_wait3A_182 = tpu.memref_squeeze %dma_wait3A_181 : memref<1x128xi32, #tpu.memory_space<vmem>> -> memref<128xi32, #tpu.memory_space<vmem>>
        %dma_wait3A_183 = arith.constant 0 : i32
        %dma_wait3A_184 = arith.constant 0 : i32
        %dma_wait3A_185 = tpu.memref_slice %arg9[%dma_wait3A_183, %dma_wait3A_184] : memref<10240x128xf32, #tpu.memory_space<vmem_shared>> -> memref<10240x128xf32, #tpu.memory_space<vmem_shared>>
        tpu.wait_indirect_dma semaphore(%arg18 : memref<!tpu.dma_semaphore, #tpu.memory_space<semaphore_mem>>) src(%arg13 : memref<128x128xf32, #tpu.memory_space<vmem>>) dst(%dma_wait3A_185 : memref<10240x128xf32, #tpu.memory_space<vmem_shared>>)
        %dma_wait3A_186 = arith.constant 0 : i32
        %dma_wait3A_187 = tpu.memref_slice %arg12[%mul3A_139, %dma_wait3A_186] : memref<40x128xi32, #tpu.memory_space<vmem>> -> memref<1x128xi32, #tpu.memory_space<vmem>>
        %dma_wait3A_188 = tpu.memref_squeeze %dma_wait3A_187 : memref<1x128xi32, #tpu.memory_space<vmem>> -> memref<128xi32, #tpu.memory_space<vmem>>
        %dma_wait3A_189 = arith.constant 0 : i32
        %dma_wait3A_190 = tpu.memref_slice %arg10[%dma_wait3A_189] : memref<10240xf32, #tpu.memory_space<vmem_shared>> -> memref<10240xf32, #tpu.memory_space<vmem_shared>>
        tpu.wait_indirect_dma semaphore(%arg20 : memref<!tpu.dma_semaphore, #tpu.memory_space<semaphore_mem>>) src(%arg15 : memref<128xf32, #tpu.memory_space<vmem>>) dst(%dma_wait3A_190 : memref<10240xf32, #tpu.memory_space<vmem_shared>>)
        %add3A_191 = arith.constant 2 : i32
        %add3A_192 = arith.addi %mul3A_139, %add3A_191 : i32
        %dma_start3A_193 = arith.constant 0 : i32
        %dma_start3A_194 = tpu.memref_slice %arg11[%add3A_192, %dma_start3A_193] : memref<40x128xi32, #tpu.memory_space<vmem>> -> memref<1x128xi32, #tpu.memory_space<vmem>>
        %dma_start3A_195 = tpu.memref_squeeze %dma_start3A_194 : memref<1x128xi32, #tpu.memory_space<vmem>> -> memref<128xi32, #tpu.memory_space<vmem>>
        %dma_start3A_196 = arith.constant 0 : i32
        %dma_start3A_197 = arith.constant 0 : i32
        %dma_start3A_198 = tpu.memref_slice %arg2[%dma_start3A_196, %dma_start3A_197] : memref<10000x128xf32, #tpu.memory_space<hbm>> -> memref<10000x128xf32, #tpu.memory_space<hbm>>
        tpu.enqueue_indirect_dma source(%dma_start3A_198 : memref<10000x128xf32, #tpu.memory_space<hbm>>) target(%arg13 : memref<128x128xf32, #tpu.memory_space<vmem>>) offsets(%dma_start3A_195 : memref<128xi32, #tpu.memory_space<vmem>>) semaphore(%arg16 : memref<!tpu.dma_semaphore, #tpu.memory_space<semaphore_mem>>)
        %dma_wait3A_199 = arith.constant 0 : i32
        %dma_wait3A_200 = tpu.memref_slice %arg12[%add3A_141, %dma_wait3A_199] : memref<40x128xi32, #tpu.memory_space<vmem>> -> memref<1x128xi32, #tpu.memory_space<vmem>>
        %dma_wait3A_201 = tpu.memref_squeeze %dma_wait3A_200 : memref<1x128xi32, #tpu.memory_space<vmem>> -> memref<128xi32, #tpu.memory_space<vmem>>
        %dma_wait3A_202 = arith.constant 0 : i32
        %dma_wait3A_203 = arith.constant 0 : i32
        %dma_wait3A_204 = tpu.memref_slice %arg9[%dma_wait3A_202, %dma_wait3A_203] : memref<10240x128xf32, #tpu.memory_space<vmem_shared>> -> memref<10240x128xf32, #tpu.memory_space<vmem_shared>>
        tpu.wait_indirect_dma semaphore(%arg19 : memref<!tpu.dma_semaphore, #tpu.memory_space<semaphore_mem>>) src(%arg14 : memref<128x128xf32, #tpu.memory_space<vmem>>) dst(%dma_wait3A_204 : memref<10240x128xf32, #tpu.memory_space<vmem_shared>>)
        %dma_wait3A_205 = arith.constant 0 : i32
        %dma_wait3A_206 = tpu.memref_slice %arg12[%add3A_141, %dma_wait3A_205] : memref<40x128xi32, #tpu.memory_space<vmem>> -> memref<1x128xi32, #tpu.memory_space<vmem>>
        %dma_wait3A_207 = tpu.memref_squeeze %dma_wait3A_206 : memref<1x128xi32, #tpu.memory_space<vmem>> -> memref<128xi32, #tpu.memory_space<vmem>>
        %dma_wait3A_208 = arith.constant 0 : i32
        %dma_wait3A_209 = tpu.memref_slice %arg10[%dma_wait3A_208] : memref<10240xf32, #tpu.memory_space<vmem_shared>> -> memref<10240xf32, #tpu.memory_space<vmem_shared>>
        tpu.wait_indirect_dma semaphore(%arg21 : memref<!tpu.dma_semaphore, #tpu.memory_space<semaphore_mem>>) src(%arg15 : memref<128xf32, #tpu.memory_space<vmem>>) dst(%dma_wait3A_209 : memref<10240xf32, #tpu.memory_space<vmem_shared>>)
        %add3A_210 = arith.constant 2 : i32
        %add3A_211 = arith.addi %add3A_141, %add3A_210 : i32
        %dma_start3A_212 = arith.constant 0 : i32
        %dma_start3A_213 = tpu.memref_slice %arg11[%add3A_211, %dma_start3A_212] : memref<40x128xi32, #tpu.memory_space<vmem>> -> memref<1x128xi32, #tpu.memory_space<vmem>>
        %dma_start3A_214 = tpu.memref_squeeze %dma_start3A_213 : memref<1x128xi32, #tpu.memory_space<vmem>> -> memref<128xi32, #tpu.memory_space<vmem>>
        %dma_start3A_215 = arith.constant 0 : i32
        %dma_start3A_216 = arith.constant 0 : i32
        %dma_start3A_217 = tpu.memref_slice %arg2[%dma_start3A_215, %dma_start3A_216] : memref<10000x128xf32, #tpu.memory_space<hbm>> -> memref<10000x128xf32, #tpu.memory_space<hbm>>
        tpu.enqueue_indirect_dma source(%dma_start3A_217 : memref<10000x128xf32, #tpu.memory_space<hbm>>) target(%arg14 : memref<128x128xf32, #tpu.memory_space<vmem>>) offsets(%dma_start3A_214 : memref<128xi32, #tpu.memory_space<vmem>>) semaphore(%arg17 : memref<!tpu.dma_semaphore, #tpu.memory_space<semaphore_mem>>)
      } else {
      }
    }
    %scan3A_109 = arith.constant 20 : i32
    %dma_wait3A_110 = arith.constant 38 : i32
    %dma_wait3A_111 = arith.constant 0 : i32
    %dma_wait3A_112 = tpu.memref_slice %arg12[%dma_wait3A_110, %dma_wait3A_111] : memref<40x128xi32, #tpu.memory_space<vmem>> -> memref<1x128xi32, #tpu.memory_space<vmem>>
    %dma_wait3A_113 = tpu.memref_squeeze %dma_wait3A_112 : memref<1x128xi32, #tpu.memory_space<vmem>> -> memref<128xi32, #tpu.memory_space<vmem>>
    %dma_wait3A_114 = arith.constant 0 : i32
    %dma_wait3A_115 = arith.constant 0 : i32
    %dma_wait3A_116 = tpu.memref_slice %arg9[%dma_wait3A_114, %dma_wait3A_115] : memref<10240x128xf32, #tpu.memory_space<vmem_shared>> -> memref<10240x128xf32, #tpu.memory_space<vmem_shared>>
    tpu.wait_indirect_dma semaphore(%arg18 : memref<!tpu.dma_semaphore, #tpu.memory_space<semaphore_mem>>) src(%arg13 : memref<128x128xf32, #tpu.memory_space<vmem>>) dst(%dma_wait3A_116 : memref<10240x128xf32, #tpu.memory_space<vmem_shared>>)
    %dma_wait3A_117 = arith.constant 38 : i32
    %dma_wait3A_118 = arith.constant 0 : i32
    %dma_wait3A_119 = tpu.memref_slice %arg12[%dma_wait3A_117, %dma_wait3A_118] : memref<40x128xi32, #tpu.memory_space<vmem>> -> memref<1x128xi32, #tpu.memory_space<vmem>>
    %dma_wait3A_120 = tpu.memref_squeeze %dma_wait3A_119 : memref<1x128xi32, #tpu.memory_space<vmem>> -> memref<128xi32, #tpu.memory_space<vmem>>
    %dma_wait3A_121 = arith.constant 0 : i32
    %dma_wait3A_122 = tpu.memref_slice %arg10[%dma_wait3A_121] : memref<10240xf32, #tpu.memory_space<vmem_shared>> -> memref<10240xf32, #tpu.memory_space<vmem_shared>>
    tpu.wait_indirect_dma semaphore(%arg20 : memref<!tpu.dma_semaphore, #tpu.memory_space<semaphore_mem>>) src(%arg15 : memref<128xf32, #tpu.memory_space<vmem>>) dst(%dma_wait3A_122 : memref<10240xf32, #tpu.memory_space<vmem_shared>>)
    %dma_wait3A_123 = arith.constant 39 : i32
    %dma_wait3A_124 = arith.constant 0 : i32
    %dma_wait3A_125 = tpu.memref_slice %arg12[%dma_wait3A_123, %dma_wait3A_124] : memref<40x128xi32, #tpu.memory_space<vmem>> -> memref<1x128xi32, #tpu.memory_space<vmem>>
    %dma_wait3A_126 = tpu.memref_squeeze %dma_wait3A_125 : memref<1x128xi32, #tpu.memory_space<vmem>> -> memref<128xi32, #tpu.memory_space<vmem>>
    %dma_wait3A_127 = arith.constant 0 : i32
    %dma_wait3A_128 = arith.constant 0 : i32
    %dma_wait3A_129 = tpu.memref_slice %arg9[%dma_wait3A_127, %dma_wait3A_128] : memref<10240x128xf32, #tpu.memory_space<vmem_shared>> -> memref<10240x128xf32, #tpu.memory_space<vmem_shared>>
    tpu.wait_indirect_dma semaphore(%arg19 : memref<!tpu.dma_semaphore, #tpu.memory_space<semaphore_mem>>) src(%arg14 : memref<128x128xf32, #tpu.memory_space<vmem>>) dst(%dma_wait3A_129 : memref<10240x128xf32, #tpu.memory_space<vmem_shared>>)
    %dma_wait3A_130 = arith.constant 39 : i32
    %dma_wait3A_131 = arith.constant 0 : i32
    %dma_wait3A_132 = tpu.memref_slice %arg12[%dma_wait3A_130, %dma_wait3A_131] : memref<40x128xi32, #tpu.memory_space<vmem>> -> memref<1x128xi32, #tpu.memory_space<vmem>>
    %dma_wait3A_133 = tpu.memref_squeeze %dma_wait3A_132 : memref<1x128xi32, #tpu.memory_space<vmem>> -> memref<128xi32, #tpu.memory_space<vmem>>
    %dma_wait3A_134 = arith.constant 0 : i32
    %dma_wait3A_135 = tpu.memref_slice %arg10[%dma_wait3A_134] : memref<10240xf32, #tpu.memory_space<vmem_shared>> -> memref<10240xf32, #tpu.memory_space<vmem_shared>>
    tpu.wait_indirect_dma semaphore(%arg21 : memref<!tpu.dma_semaphore, #tpu.memory_space<semaphore_mem>>) src(%arg15 : memref<128xf32, #tpu.memory_space<vmem>>) dst(%dma_wait3A_135 : memref<10240xf32, #tpu.memory_space<vmem_shared>>)
    %barrier3A_136 = arith.constant 0 : index
    tpu.barrier barrier_id(%barrier3A_136)
    "tpu.region"() ({
      %run_scoped3A = tpu.sem_alloc : memref<!tpu.dma_semaphore, #tpu.memory_space<semaphore_mem>>
      %dma_start3A_137 = arith.constant 0 : i32
      %dma_start3A_138 = arith.constant 0 : i32
      %dma_start3A_139 = tpu.memref_slice %arg7[%arg0, %dma_start3A_137, %dma_start3A_138] : memref<2x10240x128xf32, #tpu.memory_space<hbm>> -> memref<1x10240x128xf32, #tpu.memory_space<hbm>>
      %dma_start3A_140 = tpu.memref_squeeze %dma_start3A_139 : memref<1x10240x128xf32, #tpu.memory_space<hbm>> -> memref<10240x128xf32, #tpu.memory_space<hbm>>
      %dma_start3A_141 = arith.constant 0 : i32
      %dma_start3A_142 = tpu.memref_slice %dma_start3A_140[%mul3A_2, %dma_start3A_141] : memref<10240x128xf32, #tpu.memory_space<hbm>> -> memref<640x128xf32, #tpu.memory_space<hbm>>
      %dma_start3A_143 = arith.constant 0 : i32
      %dma_start3A_144 = tpu.memref_slice %arg9[%mul3A_2, %dma_start3A_143] : memref<10240x128xf32, #tpu.memory_space<vmem_shared>> -> memref<640x128xf32, #tpu.memory_space<vmem_shared>>
      tpu.enqueue_dma source(%dma_start3A_144 : memref<640x128xf32, #tpu.memory_space<vmem_shared>>) target(%dma_start3A_142 : memref<640x128xf32, #tpu.memory_space<hbm>>) target_semaphore(%run_scoped3A : memref<!tpu.dma_semaphore, #tpu.memory_space<semaphore_mem>>)
      %dma_wait3A_145 = arith.constant 0 : i32
      %dma_wait3A_146 = arith.constant 0 : i32
      %dma_wait3A_147 = tpu.memref_slice %arg7[%arg0, %dma_wait3A_145, %dma_wait3A_146] : memref<2x10240x128xf32, #tpu.memory_space<hbm>> -> memref<1x10240x128xf32, #tpu.memory_space<hbm>>
      %dma_wait3A_148 = tpu.memref_squeeze %dma_wait3A_147 : memref<1x10240x128xf32, #tpu.memory_space<hbm>> -> memref<10240x128xf32, #tpu.memory_space<hbm>>
      %dma_wait3A_149 = arith.constant 0 : i32
      %dma_wait3A_150 = tpu.memref_slice %dma_wait3A_148[%mul3A_2, %dma_wait3A_149] : memref<10240x128xf32, #tpu.memory_space<hbm>> -> memref<640x128xf32, #tpu.memory_space<hbm>>
      %dma_wait3A_151 = arith.constant 0 : i32
      %dma_wait3A_152 = tpu.memref_slice %arg9[%mul3A_2, %dma_wait3A_151] : memref<10240x128xf32, #tpu.memory_space<vmem_shared>> -> memref<640x128xf32, #tpu.memory_space<vmem_shared>>
      tpu.wait_dma2 semaphore(%run_scoped3A : memref<!tpu.dma_semaphore, #tpu.memory_space<semaphore_mem>>) src(%dma_wait3A_152 : memref<640x128xf32, #tpu.memory_space<vmem_shared>>) dst(%dma_wait3A_150 : memref<640x128xf32, #tpu.memory_space<hbm>>)
      tpu.yield
    }) : () -> ()
    "tpu.region"() ({
      %run_scoped3A = tpu.sem_alloc : memref<!tpu.dma_semaphore, #tpu.memory_space<semaphore_mem>>
      %dma_start3A_137 = arith.constant 0 : i32
      %dma_start3A_138 = tpu.memref_slice %arg8[%arg0, %dma_start3A_137] : memref<2x10240xf32, #tpu.memory_space<hbm>> -> memref<1x10240xf32, #tpu.memory_space<hbm>>
      %dma_start3A_139 = tpu.memref_squeeze %dma_start3A_138 : memref<1x10240xf32, #tpu.memory_space<hbm>> -> memref<10240xf32, #tpu.memory_space<hbm>>
      %dma_start3A_140 = tpu.memref_slice %dma_start3A_139[%mul3A_2] : memref<10240xf32, #tpu.memory_space<hbm>> -> memref<640xf32, #tpu.memory_space<hbm>>
      %dma_start3A_141 = tpu.memref_slice %arg10[%mul3A_2] : memref<10240xf32, #tpu.memory_space<vmem_shared>> -> memref<640xf32, #tpu.memory_space<vmem_shared>>
      tpu.enqueue_dma source(%dma_start3A_141 : memref<640xf32, #tpu.memory_space<vmem_shared>>) target(%dma_start3A_140 : memref<640xf32, #tpu.memory_space<hbm>>) target_semaphore(%run_scoped3A : memref<!tpu.dma_semaphore, #tpu.memory_space<semaphore_mem>>)
      %dma_wait3A_142 = arith.constant 0 : i32
      %dma_wait3A_143 = tpu.memref_slice %arg8[%arg0, %dma_wait3A_142] : memref<2x10240xf32, #tpu.memory_space<hbm>> -> memref<1x10240xf32, #tpu.memory_space<hbm>>
      %dma_wait3A_144 = tpu.memref_squeeze %dma_wait3A_143 : memref<1x10240xf32, #tpu.memory_space<hbm>> -> memref<10240xf32, #tpu.memory_space<hbm>>
      %dma_wait3A_145 = tpu.memref_slice %dma_wait3A_144[%mul3A_2] : memref<10240xf32, #tpu.memory_space<hbm>> -> memref<640xf32, #tpu.memory_space<hbm>>
      %dma_wait3A_146 = tpu.memref_slice %arg10[%mul3A_2] : memref<10240xf32, #tpu.memory_space<vmem_shared>> -> memref<640xf32, #tpu.memory_space<vmem_shared>>
      tpu.wait_dma2 semaphore(%run_scoped3A : memref<!tpu.dma_semaphore, #tpu.memory_space<semaphore_mem>>) src(%dma_wait3A_146 : memref<640xf32, #tpu.memory_space<vmem_shared>>) dst(%dma_wait3A_145 : memref<640xf32, #tpu.memory_space<hbm>>)
      tpu.yield
    }) : () -> ()
    return
  }
}

module attributes {stable_mosaic.version = 14 : i64} {
  func.func @_tc_body(%arg0: i32, %arg1: memref<1x1000x128xf32, #tpu.memory_space<vmem>>, %arg2: memref<1x1000x128xf32, #tpu.memory_space<vmem>>, %arg3: memref<1000x128xf32, #tpu.memory_space<vmem>>, %arg4: memref<128x128xf32, #tpu.memory_space<vmem>>, %arg5: memref<128x128xf32, #tpu.memory_space<vmem>>, %arg6: memref<1x128xf32, #tpu.memory_space<vmem>>, %arg7: memref<1x128xf32, #tpu.memory_space<vmem>>, %arg8: memref<1x1000x1xf32, #tpu.memory_space<vmem>>, %arg9: memref<1x1000x1xf32, #tpu.memory_space<vmem>>, %arg10: memref<1000x128xf32, #tpu.memory_space<vmem>>) attributes {dimension_semantics = [#tpu.dimension_semantics<arbitrary>], iteration_bounds = array<i64: 10>, scalar_prefetch = 0 : i64, scratch_operands = 0 : i64, tpu.core_type = #tpu.core_type<tc>, window_params = [{transform_indices = @transform_0, window_bounds = array<i64: 1, 1000, 128>}, {transform_indices = @transform_1, window_bounds = array<i64: 1, 1000, 128>}, {transform_indices = @transform_2, window_bounds = array<i64: 1000, 128>}, {pipeline_mode = #tpu.pipeline_mode<synchronous>, transform_indices = @transform_3, window_bounds = array<i64: 128, 128>}, {pipeline_mode = #tpu.pipeline_mode<synchronous>, transform_indices = @transform_4, window_bounds = array<i64: 128, 128>}, {pipeline_mode = #tpu.pipeline_mode<synchronous>, transform_indices = @transform_5, window_bounds = array<i64: 1, 128>}, {pipeline_mode = #tpu.pipeline_mode<synchronous>, transform_indices = @transform_6, window_bounds = array<i64: 1, 128>}, {transform_indices = @transform_7, window_bounds = array<i64: 1, 1000, 1>}, {transform_indices = @transform_8, window_bounds = array<i64: 1, 1000, 1>}, {transform_indices = @transform_9, window_bounds = array<i64: 1000, 128>}]} {
    %get3A = arith.constant 0 : index
    %get3A_0 = arith.constant 0 : index
    %get3A_1 = arith.constant 0 : index
    %get3A_2 = vector.load %arg1[%get3A, %get3A_0, %get3A_1] : memref<1x1000x128xf32, #tpu.memory_space<vmem>>, vector<1x1000x128xf32>
    %get3A_3 = vector.shape_cast %get3A_2 : vector<1x1000x128xf32> to vector<1000x128xf32>
    %get3A_4 = arith.constant 0 : index
    %get3A_5 = arith.constant 0 : index
    %get3A_6 = arith.constant 0 : index
    %get3A_7 = vector.load %arg2[%get3A_4, %get3A_5, %get3A_6] : memref<1x1000x128xf32, #tpu.memory_space<vmem>>, vector<1x1000x128xf32>
    %get3A_8 = vector.shape_cast %get3A_7 : vector<1x1000x128xf32> to vector<1000x128xf32>
    %add3A = arith.addf %get3A_3, %get3A_8 : vector<1000x128xf32>
    %get3A_9 = arith.constant 0 : index
    %get3A_10 = arith.constant 0 : index
    %get3A_11 = vector.load %arg4[%get3A_9, %get3A_10] : memref<128x128xf32, #tpu.memory_space<vmem>>, vector<128x128xf32>
    %dot_general3A = arith.constant dense<0.000000e+00> : vector<1000x128xf32>
    %dot_general3A_12 = tpu.matmul %add3A, %get3A_11, %dot_general3A {dimension_numbers = #tpu.dot_dimension_numbers<[1], [0], [0], [1], [0, 0, 1, 1], [], []>, transpose_lhs_hint = false} : vector<1000x128xf32>, vector<128x128xf32>, vector<1000x128xf32> -> vector<1000x128xf32>
    %get3A_13 = arith.constant 0 : index
    %get3A_14 = arith.constant 0 : index
    %get3A_15 = vector.load %arg3[%get3A_13, %get3A_14] : memref<1000x128xf32, #tpu.memory_space<vmem>>, vector<1000x128xf32>
    %get3A_16 = arith.constant 0 : index
    %get3A_17 = arith.constant 0 : index
    %get3A_18 = vector.load %arg5[%get3A_16, %get3A_17] : memref<128x128xf32, #tpu.memory_space<vmem>>, vector<128x128xf32>
    %dot_general3A_19 = arith.constant dense<0.000000e+00> : vector<1000x128xf32>
    %dot_general3A_20 = tpu.matmul %get3A_15, %get3A_18, %dot_general3A_19 {dimension_numbers = #tpu.dot_dimension_numbers<[1], [0], [0], [1], [0, 0, 1, 1], [], []>, transpose_lhs_hint = false} : vector<1000x128xf32>, vector<128x128xf32>, vector<1000x128xf32> -> vector<1000x128xf32>
    %add3A_21 = arith.addf %dot_general3A_12, %dot_general3A_20 : vector<1000x128xf32>
    %get3A_22 = arith.constant 0 : index
    %get3A_23 = arith.constant 0 : index
    %get3A_24 = arith.constant 0 : index
    %get3A_25 = vector.load %arg8[%get3A_22, %get3A_23, %get3A_24] : memref<1x1000x1xf32, #tpu.memory_space<vmem>>, vector<1x1000x1xf32>
    %get3A_26 = vector.shape_cast %get3A_25 : vector<1x1000x1xf32> to vector<1000x1xf32>
    %get3A_27 = arith.constant 0 : index
    %get3A_28 = arith.constant 0 : index
    %get3A_29 = arith.constant 0 : index
    %get3A_30 = vector.load %arg9[%get3A_27, %get3A_28, %get3A_29] : memref<1x1000x1xf32, #tpu.memory_space<vmem>>, vector<1x1000x1xf32>
    %get3A_31 = vector.shape_cast %get3A_30 : vector<1x1000x1xf32> to vector<1000x1xf32>
    %add3A_32 = arith.addf %get3A_26, %get3A_31 : vector<1000x1xf32>
    %get3A_33 = arith.constant 0 : index
    %get3A_34 = arith.constant 0 : index
    %get3A_35 = vector.load %arg6[%get3A_33, %get3A_34] : memref<1x128xf32, #tpu.memory_space<vmem>>, vector<1x128xf32>
    %mul3A = vector.broadcast %add3A_32 : vector<1000x1xf32> to vector<1000x128xf32>
    %mul3A_36 = vector.broadcast %get3A_35 : vector<1x128xf32> to vector<1000x128xf32>
    %mul3A_37 = arith.mulf %mul3A, %mul3A_36 : vector<1000x128xf32>
    %add3A_38 = arith.addf %add3A_21, %mul3A_37 : vector<1000x128xf32>
    %get3A_39 = arith.constant 0 : index
    %get3A_40 = arith.constant 0 : index
    %get3A_41 = vector.load %arg7[%get3A_39, %get3A_40] : memref<1x128xf32, #tpu.memory_space<vmem>>, vector<1x128xf32>
    %add3A_42 = vector.broadcast %get3A_41 : vector<1x128xf32> to vector<1000x128xf32>
    %add3A_43 = arith.addf %add3A_38, %add3A_42 : vector<1000x128xf32>
    %max3A = arith.constant 0.000000e+00 : f32
    %max3A_44 = vector.broadcast %max3A : f32 to vector<1000x128xf32>
    %max3A_45 = arith.maximumf %add3A_43, %max3A_44 : vector<1000x128xf32>
    %swap3A = arith.constant 0 : index
    %swap3A_46 = arith.constant 0 : index
    %swap3A_47 = vector.load %arg10[%swap3A, %swap3A_46] : memref<1000x128xf32, #tpu.memory_space<vmem>>, vector<1000x128xf32>
    tpu.vector_store %arg10[%swap3A, %swap3A_46], %max3A_45 {strides = array<i32>} : memref<1000x128xf32, #tpu.memory_space<vmem>>, vector<1000x128xf32>,
    return
  }
  func.func @transform_0(%arg0: i32) -> (i32, i32, i32) {
    %c0_i32 = arith.constant 0 : i32
    %c0_i32_0 = arith.constant 0 : i32
    %c0_i32_1 = arith.constant 0 : i32
    return %c0_i32, %arg0, %c0_i32_0 : i32, i32, i32
  }
  func.func @transform_1(%arg0: i32) -> (i32, i32, i32) {
    %c1_i32 = arith.constant 1 : i32
    %c0_i32 = arith.constant 0 : i32
    %c0_i32_0 = arith.constant 0 : i32
    return %c1_i32, %arg0, %c0_i32 : i32, i32, i32
  }
  func.func @transform_2(%arg0: i32) -> (i32, i32) {
    %c0_i32 = arith.constant 0 : i32
    %c0_i32_0 = arith.constant 0 : i32
    return %arg0, %c0_i32 : i32, i32
  }
  func.func @transform_3(%arg0: i32) -> (i32, i32) {
    %c0_i32 = arith.constant 0 : i32
    %c0_i32_0 = arith.constant 0 : i32
    %c0_i32_1 = arith.constant 0 : i32
    return %c0_i32, %c0_i32_0 : i32, i32
  }
  func.func @transform_4(%arg0: i32) -> (i32, i32) {
    %c0_i32 = arith.constant 0 : i32
    %c0_i32_0 = arith.constant 0 : i32
    %c0_i32_1 = arith.constant 0 : i32
    return %c0_i32, %c0_i32_0 : i32, i32
  }
  func.func @transform_5(%arg0: i32) -> (i32, i32) {
    %c0_i32 = arith.constant 0 : i32
    %c0_i32_0 = arith.constant 0 : i32
    %c0_i32_1 = arith.constant 0 : i32
    return %c0_i32, %c0_i32_0 : i32, i32
  }
  func.func @transform_6(%arg0: i32) -> (i32, i32) {
    %c0_i32 = arith.constant 0 : i32
    %c0_i32_0 = arith.constant 0 : i32
    %c0_i32_1 = arith.constant 0 : i32
    return %c0_i32, %c0_i32_0 : i32, i32
  }
  func.func @transform_7(%arg0: i32) -> (i32, i32, i32) {
    %c0_i32 = arith.constant 0 : i32
    %c0_i32_0 = arith.constant 0 : i32
    %c0_i32_1 = arith.constant 0 : i32
    return %c0_i32, %arg0, %c0_i32_0 : i32, i32, i32
  }
  func.func @transform_8(%arg0: i32) -> (i32, i32, i32) {
    %c1_i32 = arith.constant 1 : i32
    %c0_i32 = arith.constant 0 : i32
    %c0_i32_0 = arith.constant 0 : i32
    return %c1_i32, %arg0, %c0_i32 : i32, i32, i32
  }
  func.func @transform_9(%arg0: i32) -> (i32, i32) {
    %c0_i32 = arith.constant 0 : i32
    %c0_i32_0 = arith.constant 0 : i32
    return %arg0, %c0_i32 : i32, i32
  }
}

</mosaic_0001>

<sc_bundles>
// kernel: kernel.4.cloned.1.call-start
scs
__scs_entry_jumppad:
0x0: {  	(pc) =	sbr.rel $0x88, $3  }
0x1: {  	(tag) =	ssettag $0x0;
	lr =	simm.s32 $0x1  }
0x2: {  	[smem:$0x3F9B] =	sst lr;
	_ =	strace $0xD0000000  }
0x3: {  	_ = 	snop  }
0x4: {  	_ = 	snop  }
0x5: {  	_ = 	snop  }
0x6: {  	_ = 	snop  }
0x7: {  	_ = 	snop  }
__scs_overlays_trampoline_lowered:
0x8: {  	[smem:$0x3FAA] =	sst s0  }
0x9: {  	[smem:$0x3FAB] =	sst s1  }
0xa: {  	[smem:$0x3FAC] =	sst s2  }
0xb: {  	[smem:$0x3FAD] =	sst s3  }
0xc: {  	[smem:$0x3FAE] =	sst s4  }
0xd: {  	[smem:$0x3FAF] =	sst s5  }
0xe: {  	[smem:$0x3FB0] =	sst s6  }
0xf: {  	[smem:$0x3FB1] =	sst s7  }
0x10: {  	[smem:$0x3FB2] =	sst s8  }
0x11: {  	[smem:$0x3FB3] =	sst s9;
	s0 =	simm.s32 @!p0 $0x0  }
0x12: {  	s1 =	sld [smem:$0x3F99];
	s0 =	simm.s32 @p0 $0x1  }
0x13: {  	[smem:$0x3FB4] =	sst s0;
	s0 =	simm.s32 @!p1 $0x0  }
0x14: {  	s2 =	sld [smem:$0x3F98];
	s0 =	simm.s32 @p1 $0x1  }
0x15: {  	[smem:$0x3FB5] =	sst s0;
	s0 =	simm.s32 @!p2 $0x0  }
0x16: {  	s3 =	sld [smem:$0x3FDB];
	s0 =	simm.s32 @p2 $0x1  }
0x17: {  	s4 =	simm.s32 $0x1BF5;
	[smem:$0x3FB7] =	sst s0  }
0x18: {  	s0 =	sld [smem:$0x3F9A];
	_ =	swait.ge [sflag:s4], $0x0  }
0x19: {  	s7 =	sld [smem:$0x3F9B]  }
0x1a: {  	s8 =	sadd.s32 $0xFFFFE003, lr  }
0x1b: {  	s9 =	sadd.s32 $0xFFFFFEF7, lr;
	s5 =	simm.s32 $0xFFFFFFFF;
	p2 =	slt.u32 s8, $0xFFFFF086  }
0x1c: {  	p1 =	slt.u32 s9, $0xF7A;
	s5 =	simm.s32 @!p2 $0x0  }
0x1d: {  	s5 =	simm.s32 @p1 $0x1;
	p0 =	seq.s32 s7, s2  }
0x1e: {  	s7 =	smul.u32 @!p0 $0xF7A, s2;
	p2 =	seq.s32 @!p0 s5, $0x0  }
0x1f: {  	s9 =	smul.u32 $0xF7A, s1;
	s8 =	simm.s32 @!p0 $0x1BF5;
	p2 =	por !p2, p0  }
0x20: {  	[sflag:s8] =	ssyncset.s32 @!p0 $0xFFFFF086;
	s6 =	sadd.s32 @!p0 s3, s7;
	s7 =	simm.s32 @!p0 $0x108  }
0x21: {  	s3 =	sadd.s32 s3, s9;
	s6 =	sadd.s32 @!p0 $0x88, s6;
	s7 =	simm.s32 @p2 $0x1082  }
0x22: {  	[simem:s7], [sflag:s8] =	dma.local @!p0 [hbm:s6], $0xF7A  }
0x23: {  	s9 =	sor.u32 $0xD0000000, s2;
	s6 =	simm.s32 $0x108;
	_ =	swait.ge @!p0 [sflag:s8], $0x0  }
0x24: {  	s3 =	sadd.s32 $0x88, s3;
	s6 =	simm.s32 @!p1 $0x1082;
	[sflag:s4] =	ssyncset.s32 $0xFFFFF086  }
0x25: {  	[simem:s6], [sflag:s4] =	dma.local [hbm:s3], $0xF7A  }
0x26: {  	[smem:$0x3F9B] =	sst s1;
	(tag) =	ssettag s2;
	_ =	strace s9  }
0x27: {  	s1 =	sld [smem:$0x3FAB]  }
0x28: {  	s2 =	sld [smem:$0x3FAC]  }
0x29: {  	s4 =	sld [smem:$0x3FAE]  }
0x2a: {  	p0 =	seq.s32 s5, $0x0;
	s5 =	sld [smem:$0x3FAF]  }
0x2b: {  	s6 =	sld [smem:$0x3FB0]  }
0x2c: {  	s7 =	sld [smem:$0x3FB1]  }
0x2d: {  	s3 =	simm.s32 $0x108;
	s8 =	sld [smem:$0x3FB2]  }
0x2e: {  	s3 =	simm.s32 @!p0 $0x1082;
	s9 =	sld [smem:$0x3FB3]  }
0x2f: {  	lr =	sadd.s32 s0, s3;
	s0 =	sld [smem:$0x3FAA]  }
0x30: {  	s3 =	sld [smem:$0x3FAD]  }
0x31: {  	[smem:$0x3FB6] =	sst s10  }
0x32: {  	s10 =	sld [smem:$0x3FB4];
	_ =	sdelay $0x3  }
0x33: {  	p0 =	seq.s32 s10, $0x1;
	s10 =	sld [smem:$0x3FB6];
	_ =	sdelay $0x3  }
0x34: {  	[smem:$0x3FB6] =	sst s10  }
0x35: {  	s10 =	sld [smem:$0x3FB5];
	_ =	sdelay $0x3  }
0x36: {  	p1 =	seq.s32 s10, $0x1;
	s10 =	sld [smem:$0x3FB6];
	_ =	sdelay $0x3  }
0x37: {  	[smem:$0x3FB6] =	sst s10  }
0x38: {  	s10 =	sld [smem:$0x3FB7]  }
0x39: {  	_ = 	snop;
	(pc) =	sbr.ind lr, $3  }
0x3a: {  	_ = 	snop  }
0x3b: {  	_ = 	snop  }
0x3c: {  	p2 =	seq.s32 s10, $0x1;
	s10 =	sld [smem:$0x3FB6]  }
0x3d: {  	_ =	shalt  }
0x3e: {  	_ =	shalt  }
0x3f: {  	_ =	shalt  }
0x40: {  	_ =	shalt  }
0x41: {  	_ =	shalt  }
0x42: {  	_ =	shalt  }
0x43: {  	_ =	shalt  }
0x44: {  	_ =	shalt  }
0x45: {  	_ =	shalt  }
0x46: {  	_ =	shalt  }
0x47: {  	_ =	shalt  }
0x48: {  	_ =	shalt  }
0x49: {  	_ =	shalt  }
0x4a: {  	_ =	shalt  }
0x4b: {  	_ =	shalt  }
0x4c: {  	_ =	shalt  }
0x4d: {  	_ =	shalt  }
0x4e: {  	_ =	shalt  }
0x4f: {  	_ =	shalt  }
0x50: {  	_ =	shalt  }
0x51: {  	_ =	shalt  }
0x52: {  	_ =	shalt  }
0x53: {  	_ =	shalt  }
0x54: {  	_ =	shalt  }
0x55: {  	_ =	shalt  }
0x56: {  	_ =	shalt  }
0x57: {  	_ =	shalt  }
0x58: {  	_ =	shalt  }
0x59: {  	_ =	shalt  }
0x5a: {  	_ =	shalt  }
0x5b: {  	_ =	shalt  }
0x5c: {  	_ =	shalt  }
0x5d: {  	_ =	shalt  }
0x5e: {  	_ =	shalt  }
0x5f: {  	_ =	shalt  }
0x60: {  	_ =	shalt  }
0x61: {  	_ =	shalt  }
0x62: {  	_ =	shalt  }
0x63: {  	_ =	shalt  }
0x64: {  	_ =	shalt  }
0x65: {  	_ =	shalt  }
0x66: {  	_ =	shalt  }
0x67: {  	_ =	shalt  }
0x68: {  	_ =	shalt  }
0x69: {  	_ =	shalt  }
0x6a: {  	_ =	shalt  }
0x6b: {  	_ =	shalt  }
0x6c: {  	_ =	shalt  }
0x6d: {  	_ =	shalt  }
0x6e: {  	_ =	shalt  }
0x6f: {  	_ =	shalt  }
0x70: {  	_ =	shalt  }
0x71: {  	_ =	shalt  }
0x72: {  	_ =	shalt  }
0x73: {  	_ =	shalt  }
0x74: {  	_ =	shalt  }
0x75: {  	_ =	shalt  }
0x76: {  	_ =	shalt  }
0x77: {  	_ =	shalt  }
0x78: {  	_ =	shalt  }
0x79: {  	_ =	shalt  }
0x7a: {  	_ =	shalt  }
0x7b: {  	_ =	shalt  }
0x7c: {  	_ =	shalt  }
0x7d: {  	_ =	shalt  }
0x7e: {  	_ =	shalt  }
0x7f: {  	_ =	shalt  }
0x80: {  	_ =	shalt  }
0x81: {  	_ =	shalt  }
0x82: {  	_ =	shalt  }
0x83: {  	_ =	shalt  }
0x84: {  	_ =	shalt  }
0x85: {  	_ =	shalt  }
0x86: {  	_ =	shalt  }
0x87: {  	_ =	shalt  }
.Lfunc_end0:
.L_simem_size_0:
called_computation_lowered:
.L_overlay_start_0:
0x88: {  	s2 =	sld [smem:$0x3FD9]  }
0x89: {  	s3 =	sld [smem:$0x3FFE];
	_ =	sdelay $0x1  }
0x8a: {  	s1 =	srdreg.scid  }
0x8b: {  	s0 =	sand.u32 $0x1, s1  }
0x8c: {  	s17 =	sshll.u32 s0, $0xA;
	s2 =	sadd.s32 s3, s2  }
0x8d: {  	s2 =	sadd.s32 s2, s17  }
0x8e: {  	[smem:$0x3FC2] =	sst s2  }
0x8f: {  	_ = 	snop  }
0x90: {  	s2 =	sld [smem:$0x3FC9]  }
0x91: {  	s18 =	sld [smem:$0x3FD0];
	(tm) =	ssettm $0x1  }
0x92: {  	s4 =	sld [smem:$0x3FFB];
	_ =	sdelay $0x3  }
0x93: {  	_ =	strace s4  }
0x94: {  	s4 =	sld [smem:$0x3FFC];
	_ =	sdelay $0x3  }
0x95: {  	_ =	strace s4  }
0x96: {  	s4 =	sld [smem:$0x3FFD];
	_ =	sdelay $0x3  }
0x97: {  	_ =	strace s4  }
0x98: {  	_ =	strace $0x8FFFFFFF  }
0x99: {  	s19 =	sld [smem:$0x3FDB];
	_ =	sdelay $0x1  }
0x9a: {  	s5 =	simm.s32 $_scs_section_size  }
0x9b: {  	s6 =	simm.s32 $_size__tile_overlayer_lowered;
	s7 =	simm.s32 $_tile_overlayer_lowered  }
0x9c: {  	s22 =	simm.s32 $0x1BFF;
	s21 =	sshll.u32 s7, $0x1;
	s4 =	sadd.s32 s5, s19  }
0x9d: {  	s8 =	simm.s32 $0x0;
	s20 =	sshll.u32 s6, $0x1;
	s6 =	sadd.s32 s21, s4  }
0x9e: {  	[timem:s8], [sflag:s22] =	dma.local [hbm:s6], s20  }
0x9f: {  	_ =	swait.ge [sflag:s22], s20  }
0xa0: {  	s5 =	ssub.s32 $0x0, s20;
	[sflag:s22] =	ssyncset.done $0x0  }
0xa1: {  	[sflag:s22] =	ssyncadd.s32 s5;
	_ =	sdelay $0x1  }
0xa2: {  	s23 =	simm.s32 $0x1B8B  }
0xa3: {  	_ =	swait.ge [sflag:s23], $0x1  }
0xa4: {  	[sflag:s23] =	ssyncset.done $0x0  }
0xa5: {  	s25 =	simm.s32 $0x1B8E;
	s24 =	sld [smem:$0x3FFE];
	[sflag:s23] =	ssyncadd.s32 $0xFFFFFFFF  }
0xa6: {  	s26 =	simm.s32 $execute0_lowered;
	[smem:$0x3FD2] =	sst s25  }
0xa7: {  	s6 =	sshll.u32 s26, $0x1;
	_ =	strace $0x80000046;
	[dreg:$0x1] =	wrdreg $0xFFFFFFFF  }
0xa8: {  	s28 =	simm.s32 $_size_execute0_lowered;
	s4 =	sadd.s32 s4, s6;
	[dreg:$0x0] =	wrdreg $0x0  }
0xa9: {  	s6 =	sshll.u32 s28, $0x1;
	[dreg:$0x2] =	wrdreg s4  }
0xaa: {  	[dreg:$0x3] =	wrdreg s6  }
0xab: {  	[dreg:$0x4] =	wrdreg $0xC0  }
0xac: {  	_ =	task [dreg:s8], $0x5FFFF  }
0xad: {  	[dreg:$0x1] =	wrdreg $0xFFFFFFFF  }
0xae: {  	[dreg:$0x0] =	wrdreg $0x60  }
0xaf: {  	[dreg:$0x2] =	wrdreg s2  }
0xb0: {  	[dreg:$0x3] =	wrdreg s18  }
0xb1: {  	[dreg:$0x4] =	wrdreg s24  }
0xb2: {  	[dreg:$0x5] =	wrdreg $0x0  }
0xb3: {  	[dreg:$0x6] =	wrdreg $0x140000  }
0xb4: {  	[dreg:$0x7] =	wrdreg $0x9  }
0xb5: {  	_ =	task.clear_ibuf [dreg:s8], $0x8FFFF;
	_ =	strace $0x90000046  }
0xb6: {  	s29 =	simm.s32 $0x9;
	_ =	strace $0x80000048  }
0xb7: {  	_ =	swait.ge [sflag:s29], $0x1  }
0xb8: {  	[sflag:s29] =	ssyncadd.s32 $0xFFFFFFFF  }
0xb9: {  	_ =	strace $0x90000048  }
0xba: {  	_ =	sfence  }
0xbb: {  	s30 =	sld [smem:$0x0];
	_ =	sdelay $0x2  }
0xbc: {  	s31 =	sshll.u32 s1, $0xD;
	s1 =	sshrl.u32 s1, $0x2  }
0xbd: {  	s3 =	sand.u32 $0x4000, s31;
	s1 =	sadd.s32 s1, s30  }
0xbe: {  	s0 =	sor.u32 s3, s0;
	s1 =	sshll.u32 s1, $0x11  }
0xbf: {  	s0 =	sor.u32 s1, s0  }
0xc0: {  	s0 =	sadd.s32 $0x8F2B, s0  }
0xc1: {  	[sflag:s0] =	ssyncadd.remote.s32 $0x1  }
0xc2: {  	_ =	sfence.sel $0xFFFF  }
0xc3: {  	[dreg:$0x0] =	wrdreg $0xFFFFFFFF;
	(pc) =	sbr.abs _section_cstart, $3  }
0xc4: {  	[dreg:$0x1] =	wrdreg $0xFFFFFFFF  }
0xc5: {  	_ =	task.clear_ibuf [dreg:s8], $0x2FFFF;
	_ =	strace $0x9FFFFFFF  }
0xc6: {  	(tm) =	ssettm $0x7FFFFFFF  }
0xc7: {  	_ =	shalt  }
tec
execute0_lowered:
.L_overlay_start_1:
0x0: {  	(tag) =	ssettag $0x1  }
0x1: {  	s1 =	rddreg [dreg:$0x0]  }
0x2: {  	s0 =	rddreg [dreg:$0x1]  }
0x3: {  	s2 =	rddreg [dreg:$0x2]  }
0x4: {  	s3 =	rddreg [dreg:$0x3]  }
0x5: {  	s4 =	rddreg [dreg:$0x4];
	s16 =	stileid.u32;
	s7 =	simm.s32 $0x0  }
0x6: {  	s6 =	srdreg.scid;
	s28 =	simm.s32 $0x2;
	s29 =	simm.s32 $0x3  }
0x7: {  	s30 =	simm.s32 $0x5;
	s31 =	simm.s32 $0x4;
	s5 =	smul.u32 $0x2800, s16  }
0x8: {  	[smem:$0x7FF] =	sst s7;
	s8 =	smul.u32 $0x280, s16;
	s6 =	sand.u32 $0x1, s6  }
0x9: {  	s9 =	sadd.s32 $0x1400, s2;
	s14 =	sshll.u32 s16, $0x1;
	s15 =	smul.u32 $0x50000, s16  }
0xa: {  	s21 =	sshll.u32 s16, $0x6;
	_ =	strace $0x80000047;
	s25 =	smul.u32 $0x28000, s6  }
0xb: {  	s26 =	sshll.u32 s6, $0x4;
	s12 =	ssub.s32 $0x2, s6;
	s6 =	sor.u32 s6, s14  }
0xc: {  	s7 =	sor.u32 $0x1C07, s21;
	s21 =	simm.s32 $0x14300;
	s10 =	sadd.s32 s5, s2  }
0xd: {  	s11 =	sshrl.u32 s8, $0x3;
	s17 =	sshrl.u32 s12, $0x1;
	s19 =	sshrl.u32 s15, $0x2  }
0xe: {  	s6 =	smul.u32 $0x2800, s6;
	s8 =	sadd.s32 s8, s4;
	s11 =	sadd.s32 s11, s2  }
0xf: {  	s13 =	sadd.s32 s25, s2;
	s2 =	sadd.s32 s26, s2;
	s18 =	ssub.s32 s12, s17  }
0x10: {  	s15 =	sadd.s32 s19, s3;
	s20 =	sadd.s32 $0xBA00, s10;
	s26 =	smul.u32 $0xA0, s16  }
0x11: {  	s16 =	sshrl.u32 s8, $0x3;
	s17 =	simm.s32 $0x14280;
	s19 =	simm.s32 $0x80  }
0x12: {  	[dreg:$0x6] =	wrdreg s20;
	s6 =	sshrl.u32 s6, $0x3;
	s22 =	sadd.s32 $0xB400, s11  }
0x13: {  	s25 =	sadd.s32 $0x34400, s13;
	s2 =	sadd.s32 $0x33A00, s2;
	s13 =	smax.u32 s18, $0x1  }
0x14: {  	s14 =	sshrl.u32 s15, $0x3;
	s15 =	simm.s32 $0x7;
	s18 =	simm.s32 $0x15680  }
0x15: {  	s20 =	simm.s32 $0x16A80;
	[dreg:$0x7] =	wrdreg s22;
	s23 =	sadd.s32 s0, s6  }
0x16: {  	s24 =	sadd.s32 $0x280, s6;
	s6 =	sadd.s32 s9, s6;
	s22 =	sadd.s32 s5, s25  }
0x17: {  	s25 =	simm.s32 $0x1;
	s5 =	simm.s32 $0x16A00;
	[dreg:$0x8] =	wrdreg s23  }
0x18: {  	[dreg:$0x9] =	wrdreg s6;
	s11 =	sadd.s32 s0, s24;
	s12 =	sadd.s32 s9, s24  }
0x19: {  	s23 =	simm.s32 $0x1AA80;
	s24 =	sadd.s32 s26, s2;
	s26 =	simm.s32 $0x1EA80  }
0x1a: {  	v0 =	vimm.f32 $1.000000000e+00;
	s0 =	simm.s32 $0x6;
	s2 =	simm.s32 $0x16980;
	s6 =	simm.s32 $0x0  }
.LBB2_1:
0x1b: {  	s8 =	rddreg [dreg:$0x6]  }
0x1c: {  	[spmem:s14], [sflag:s7] =	dma.local [hbm:s8], $0x2800  }
0x1d: {  	_ =	swait.ge [sflag:s15], $0x2800  }
0x1e: {  	[sflag:s15] =	ssyncset.done $0x0  }
0x1f: {  	s9 =	rddreg [dreg:$0x7];
	[sflag:s15] =	ssyncadd.s32 $0xFFFFD800  }
0x20: {  	[spmem:s16], [sflag:s7] =	dma.local [hbm:s9], $0x50  }
0x21: {  	_ =	swait.ge [sflag:s15], $0x50  }
0x22: {  	[sflag:s15] =	ssyncset.done $0x0  }
0x23: {  	[sflag:s15] =	ssyncadd.s32 $0xFFFFFFB0  }
0x24: {  	[tilespmem:$0x1EA80] =	vst v0  }
0x25: {  	[tilespmem:$0x1EA90] =	vst v0  }
0x26: {  	[tilespmem:$0x1EAA0] =	vst v0  }
0x27: {  	[tilespmem:$0x1EAB0] =	vst v0  }
0x28: {  	[tilespmem:$0x1EAC0] =	vst v0  }
0x29: {  	[tilespmem:$0x1EAD0] =	vst v0  }
0x2a: {  	[tilespmem:$0x1EAE0] =	vst v0  }
0x2b: {  	[tilespmem:$0x1EAF0] =	vst v0  }
0x2c: {  	[bflag:$0x0] =	sbarrier.arrive $0xFFFF  }
0x2d: {  	s8 =	simm.s32 $0x0;
	s9 =	rddreg [dreg:$0x8]  }
0x2e: {  	[tilespmem:s17], [sflag:$0x7] =	stream.linear.gather [hbm4b:s9+s8], $0x1400, $0x38;
	[tilespmem:$0x1EB00] =	vst v63  }
0x2f: {  	_ =	swait.ge [sflag:s15], $0x1400  }
0x30: {  	[sflag:s15] =	ssyncset.done $0x0  }
0x31: {  	s10 =	rddreg [dreg:$0x9];
	[sflag:s15] =	ssyncadd.s32 $0xFFFFEC00  }
0x32: {  	[tilespmem:s18], [sflag:$0x7] =	stream.linear.gather [hbm4b:s10+s8], $0x1400, $0x38;
	[tilespmem:$0x1EB00] =	vst v63  }
0x33: {  	_ =	swait.ge [sflag:s15], $0x1400  }
0x34: {  	[sflag:s15] =	ssyncset.done $0x0  }
0x35: {  	[sflag:s15] =	ssyncadd.s32 $0xFFFFEC00  }
0x36: {  	[tilespmem:s20], [sflag:$0x1] =	stream.indirect.gather [hbm4b:s1+s19], $0x80, s17, s19, $0xb8;
	[tilespmem:$0x1EB00] =	vst v63  }
0x37: {  	_ = 	snop  }
0x38: {  	[tilespmem:s23], [sflag:$0x2] =	stream.indirect.gather [hbm4b:s1+s19], $0x80, s21, s19, $0xb8;
	[tilespmem:$0x1EB00] =	vst v63  }
0x39: {  	_ =	swait.ge [sflag:s25], $0x4000  }
0x3a: {  	[sflag:s25] =	ssyncset.done $0x0  }
0x3b: {  	s10 =	simm.s32 $0x15680;
	[sflag:s25] =	ssyncadd.s32 $0xFFFFC000  }
0x3c: {  	[spmem:s3] =	stream.indirect.scatter.add.f32 [tilespmem:s20], [sflag:$0x3], $0x80, s10, s19, $0xb8;
	[tilespmem:$0x1EB00] =	vst v63  }
0x3d: {  	_ = 	snop  }
0x3e: {  	[spmem:s4] =	stream.indirect.scatter.add.f32 [tilespmem:s26], [sflag:$0x5], $0x1, s10, s19, $0xb8;
	[tilespmem:$0x1EB00] =	vst v63  }
0x3f: {  	_ =	swait.ge [sflag:s28], $0x4000  }
0x40: {  	[sflag:s28] =	ssyncset.done $0x0  }
0x41: {  	s9 =	simm.s32 $0x15700;
	[sflag:s28] =	ssyncadd.s32 $0xFFFFC000  }
0x42: {  	[spmem:s3] =	stream.indirect.scatter.add.f32 [tilespmem:s23], [sflag:$0x4], $0x80, s9, s19, $0xb8;
	[tilespmem:$0x1EB00] =	vst v63  }
0x43: {  	_ = 	snop  }
0x44: {  	[spmem:s4] =	stream.indirect.scatter.add.f32 [tilespmem:s26], [sflag:$0x6], $0x1, s9, s19, $0xb8;
	[tilespmem:$0x1EB00] =	vst v63  }
0x45: {  	_ =	swait.ge [sflag:s29], $0x4000  }
0x46: {  	[sflag:s29] =	ssyncset.done $0x0  }
0x47: {  	[sflag:s29] =	ssyncadd.s32 $0xFFFFC000  }
0x48: {  	_ =	swait.ge [sflag:s30], $0x80  }
0x49: {  	[sflag:s30] =	ssyncset.done $0x0  }
0x4a: {  	s10 =	simm.s32 $0x14380;
	[sflag:s30] =	ssyncadd.s32 $0xFFFFFF80  }
0x4b: {  	[tilespmem:s20], [sflag:$0x1] =	stream.indirect.gather [hbm4b:s1+s19], $0x80, s10, s19, $0xb8;
	[tilespmem:$0x1EB00] =	vst v63  }
0x4c: {  	_ =	swait.ge [sflag:s31], $0x4000  }
0x4d: {  	[sflag:s31] =	ssyncset.done $0x0  }
0x4e: {  	[sflag:s31] =	ssyncadd.s32 $0xFFFFC000  }
0x4f: {  	_ =	swait.ge [sflag:s0], $0x80  }
0x50: {  	[sflag:s0] =	ssyncset.done $0x0  }
0x51: {  	s8 =	simm.s32 $0x400;
	s9 =	simm.s32 $0x14400;
	[sflag:s0] =	ssyncadd.s32 $0xFFFFFF80  }
.LBB2_2:
0x52: {  	[tilespmem:s23], [sflag:$0x2] =	stream.indirect.gather [hbm4b:s1+s19], $0x80, s9, s19, $0xb8;
	[tilespmem:$0x1EB00] =	vst v63  }
0x53: {  	s9 =	smov.u32 s8  }
0x54: {  	p0 =	sne.s32 s8, $0x4800;
	s8 =	sadd.s32 $0x400, s8;
	_ =	swait.ge [sflag:s25], $0x4000  }
0x55: {  	s9 =	sshra.s32 s9, $0x2;
	[sflag:s25] =	ssyncset.done $0x0  }
0x56: {  	s10 =	sadd.s32 $0x15680, s9;
	[sflag:s25] =	ssyncadd.s32 $0xFFFFC000  }
0x57: {  	[spmem:s3] =	stream.indirect.scatter.add.f32 [tilespmem:s20], [sflag:$0x3], $0x80, s10, s19, $0xb8;
	[tilespmem:$0x1EB00] =	vst v63  }
0x58: {  	_ = 	snop  }
0x59: {  	[spmem:s4] =	stream.indirect.scatter.add.f32 [tilespmem:s26], [sflag:$0x5], $0x1, s10, s19, $0xb8;
	[tilespmem:$0x1EB00] =	vst v63  }
0x5a: {  	_ =	swait.ge [sflag:s28], $0x4000  }
0x5b: {  	[sflag:s28] =	ssyncset.done $0x0  }
0x5c: {  	s10 =	sadd.s32 $0x15700, s9;
	[sflag:s28] =	ssyncadd.s32 $0xFFFFC000  }
0x5d: {  	[spmem:s3] =	stream.indirect.scatter.add.f32 [tilespmem:s23], [sflag:$0x4], $0x80, s10, s19, $0xb8;
	[tilespmem:$0x1EB00] =	vst v63  }
0x5e: {  	_ = 	snop  }
0x5f: {  	[spmem:s4] =	stream.indirect.scatter.add.f32 [tilespmem:s26], [sflag:$0x6], $0x1, s10, s19, $0xb8;
	[tilespmem:$0x1EB00] =	vst v63  }
0x60: {  	_ =	swait.ge [sflag:s29], $0x4000  }
0x61: {  	[sflag:s29] =	ssyncset.done $0x0  }
0x62: {  	[sflag:s29] =	ssyncadd.s32 $0xFFFFC000  }
0x63: {  	_ =	swait.ge [sflag:s30], $0x80  }
0x64: {  	[sflag:s30] =	ssyncset.done $0x0  }
0x65: {  	s10 =	sadd.s32 $0x14380, s9;
	[sflag:s30] =	ssyncadd.s32 $0xFFFFFF80  }
0x66: {  	[tilespmem:s20], [sflag:$0x1] =	stream.indirect.gather [hbm4b:s1+s19], $0x80, s10, s19, $0xb8;
	[tilespmem:$0x1EB00] =	vst v63  }
0x67: {  	_ =	swait.ge [sflag:s31], $0x4000  }
.Ltmp0:
0x68: {  	[sflag:s31] =	ssyncset.done $0x0;
	(pc) =	sbr.rel @p0 .LBB2_2-.Ltmp0, $4  }
0x69: {  	[sflag:s31] =	ssyncadd.s32 $0xFFFFC000  }
0x6a: {  	_ =	swait.ge [sflag:s0], $0x80  }
0x6b: {  	[sflag:s0] =	ssyncset.done $0x0  }
0x6c: {  	s9 =	sadd.s32 $0x14400, s9;
	[sflag:s0] =	ssyncadd.s32 $0xFFFFFF80  }
0x6d: {  	[tilespmem:s23], [sflag:$0x2] =	stream.indirect.gather [hbm4b:s1+s19], $0x80, s9, s19, $0xb8;
	[tilespmem:$0x1EB00] =	vst v63  }
0x6e: {  	_ =	swait.ge [sflag:s25], $0x4000  }
0x6f: {  	[sflag:s25] =	ssyncset.done $0x0  }
0x70: {  	[sflag:s25] =	ssyncadd.s32 $0xFFFFC000  }
0x71: {  	[spmem:s3] =	stream.indirect.scatter.add.f32 [tilespmem:s20], [sflag:$0x3], $0x80, s2, s19, $0xb8;
	[tilespmem:$0x1EB00] =	vst v63  }
0x72: {  	_ = 	snop  }
0x73: {  	[spmem:s4] =	stream.indirect.scatter.add.f32 [tilespmem:s26], [sflag:$0x5], $0x1, s2, s19, $0xb8;
	[tilespmem:$0x1EB00] =	vst v63  }
0x74: {  	_ =	swait.ge [sflag:s28], $0x4000  }
0x75: {  	[sflag:s28] =	ssyncset.done $0x0  }
0x76: {  	[sflag:s28] =	ssyncadd.s32 $0xFFFFC000  }
0x77: {  	[spmem:s3] =	stream.indirect.scatter.add.f32 [tilespmem:s23], [sflag:$0x4], $0x80, s5, s19, $0xb8;
	[tilespmem:$0x1EB00] =	vst v63  }
0x78: {  	_ = 	snop  }
0x79: {  	[spmem:s4] =	stream.indirect.scatter.add.f32 [tilespmem:s26], [sflag:$0x6], $0x1, s5, s19, $0xb8;
	[tilespmem:$0x1EB00] =	vst v63  }
0x7a: {  	_ =	swait.ge [sflag:s29], $0x4000  }
0x7b: {  	[sflag:s29] =	ssyncset.done $0x0  }
0x7c: {  	[sflag:s29] =	ssyncadd.s32 $0xFFFFC000  }
0x7d: {  	_ =	swait.ge [sflag:s30], $0x80  }
0x7e: {  	[sflag:s30] =	ssyncset.done $0x0  }
0x7f: {  	[sflag:s30] =	ssyncadd.s32 $0xFFFFFF80  }
0x80: {  	_ =	swait.ge [sflag:s31], $0x4000  }
0x81: {  	[sflag:s31] =	ssyncset.done $0x0  }
0x82: {  	[sflag:s31] =	ssyncadd.s32 $0xFFFFC000  }
0x83: {  	_ =	swait.ge [sflag:s0], $0x80  }
0x84: {  	[sflag:s0] =	ssyncset.done $0x0  }
0x85: {  	s8 =	simm.s32 $0x0;
	[sflag:s0] =	ssyncadd.s32 $0xFFFFFF80  }
0x86: {  	[tilespmem:s17], [sflag:$0x7] =	stream.linear.gather [hbm4b:s11+s8], $0x1400, $0x38;
	[tilespmem:$0x1EB00] =	vst v63  }
0x87: {  	_ =	swait.ge [sflag:s15], $0x1400  }
0x88: {  	[sflag:s15] =	ssyncset.done $0x0  }
0x89: {  	[sflag:s15] =	ssyncadd.s32 $0xFFFFEC00  }
0x8a: {  	[tilespmem:s18], [sflag:$0x7] =	stream.linear.gather [hbm4b:s12+s8], $0x1400, $0x38;
	[tilespmem:$0x1EB00] =	vst v63  }
0x8b: {  	_ =	swait.ge [sflag:s15], $0x1400  }
0x8c: {  	[sflag:s15] =	ssyncset.done $0x0  }
0x8d: {  	[sflag:s15] =	ssyncadd.s32 $0xFFFFEC00  }
0x8e: {  	[tilespmem:s20], [sflag:$0x1] =	stream.indirect.gather [hbm4b:s1+s19], $0x80, s17, s19, $0xb8;
	[tilespmem:$0x1EB00] =	vst v63  }
0x8f: {  	_ = 	snop  }
0x90: {  	[tilespmem:s23], [sflag:$0x2] =	stream.indirect.gather [hbm4b:s1+s19], $0x80, s21, s19, $0xb8;
	[tilespmem:$0x1EB00] =	vst v63  }
0x91: {  	_ =	swait.ge [sflag:s25], $0x4000  }
0x92: {  	[sflag:s25] =	ssyncset.done $0x0  }
0x93: {  	s10 =	simm.s32 $0x15680;
	[sflag:s25] =	ssyncadd.s32 $0xFFFFC000  }
0x94: {  	[spmem:s3] =	stream.indirect.scatter.add.f32 [tilespmem:s20], [sflag:$0x3], $0x80, s10, s19, $0xb8;
	[tilespmem:$0x1EB00] =	vst v63  }
0x95: {  	_ = 	snop  }
0x96: {  	[spmem:s4] =	stream.indirect.scatter.add.f32 [tilespmem:s26], [sflag:$0x5], $0x1, s10, s19, $0xb8;
	[tilespmem:$0x1EB00] =	vst v63  }
0x97: {  	_ =	swait.ge [sflag:s28], $0x4000  }
0x98: {  	[sflag:s28] =	ssyncset.done $0x0  }
0x99: {  	s9 =	simm.s32 $0x15700;
	[sflag:s28] =	ssyncadd.s32 $0xFFFFC000  }
0x9a: {  	[spmem:s3] =	stream.indirect.scatter.add.f32 [tilespmem:s23], [sflag:$0x4], $0x80, s9, s19, $0xb8;
	[tilespmem:$0x1EB00] =	vst v63  }
0x9b: {  	_ = 	snop  }
0x9c: {  	[spmem:s4] =	stream.indirect.scatter.add.f32 [tilespmem:s26], [sflag:$0x6], $0x1, s9, s19, $0xb8;
	[tilespmem:$0x1EB00] =	vst v63  }
0x9d: {  	_ =	swait.ge [sflag:s29], $0x4000  }
0x9e: {  	[sflag:s29] =	ssyncset.done $0x0  }
0x9f: {  	[sflag:s29] =	ssyncadd.s32 $0xFFFFC000  }
0xa0: {  	_ =	swait.ge [sflag:s30], $0x80  }
0xa1: {  	[sflag:s30] =	ssyncset.done $0x0  }
0xa2: {  	s10 =	simm.s32 $0x14380;
	[sflag:s30] =	ssyncadd.s32 $0xFFFFFF80  }
0xa3: {  	[tilespmem:s20], [sflag:$0x1] =	stream.indirect.gather [hbm4b:s1+s19], $0x80, s10, s19, $0xb8;
	[tilespmem:$0x1EB00] =	vst v63  }
0xa4: {  	_ =	swait.ge [sflag:s31], $0x4000  }
0xa5: {  	[sflag:s31] =	ssyncset.done $0x0  }
0xa6: {  	[sflag:s31] =	ssyncadd.s32 $0xFFFFC000  }
0xa7: {  	_ =	swait.ge [sflag:s0], $0x80  }
0xa8: {  	[sflag:s0] =	ssyncset.done $0x0  }
0xa9: {  	s8 =	simm.s32 $0x400;
	s9 =	simm.s32 $0x14400;
	[sflag:s0] =	ssyncadd.s32 $0xFFFFFF80  }
.LBB2_4:
0xaa: {  	[tilespmem:s23], [sflag:$0x2] =	stream.indirect.gather [hbm4b:s1+s19], $0x80, s9, s19, $0xb8;
	[tilespmem:$0x1EB00] =	vst v63  }
0xab: {  	s9 =	smov.u32 s8  }
0xac: {  	p0 =	sne.s32 s8, $0x4800;
	s8 =	sadd.s32 $0x400, s8;
	_ =	swait.ge [sflag:s25], $0x4000  }
0xad: {  	s9 =	sshra.s32 s9, $0x2;
	[sflag:s25] =	ssyncset.done $0x0  }
0xae: {  	s10 =	sadd.s32 $0x15680, s9;
	[sflag:s25] =	ssyncadd.s32 $0xFFFFC000  }
0xaf: {  	[spmem:s3] =	stream.indirect.scatter.add.f32 [tilespmem:s20], [sflag:$0x3], $0x80, s10, s19, $0xb8;
	[tilespmem:$0x1EB00] =	vst v63  }
0xb0: {  	_ = 	snop  }
0xb1: {  	[spmem:s4] =	stream.indirect.scatter.add.f32 [tilespmem:s26], [sflag:$0x5], $0x1, s10, s19, $0xb8;
	[tilespmem:$0x1EB00] =	vst v63  }
0xb2: {  	_ =	swait.ge [sflag:s28], $0x4000  }
0xb3: {  	[sflag:s28] =	ssyncset.done $0x0  }
0xb4: {  	s10 =	sadd.s32 $0x15700, s9;
	[sflag:s28] =	ssyncadd.s32 $0xFFFFC000  }
0xb5: {  	[spmem:s3] =	stream.indirect.scatter.add.f32 [tilespmem:s23], [sflag:$0x4], $0x80, s10, s19, $0xb8;
	[tilespmem:$0x1EB00] =	vst v63  }
0xb6: {  	_ = 	snop  }
0xb7: {  	[spmem:s4] =	stream.indirect.scatter.add.f32 [tilespmem:s26], [sflag:$0x6], $0x1, s10, s19, $0xb8;
	[tilespmem:$0x1EB00] =	vst v63  }
0xb8: {  	_ =	swait.ge [sflag:s29], $0x4000  }
0xb9: {  	[sflag:s29] =	ssyncset.done $0x0  }
0xba: {  	[sflag:s29] =	ssyncadd.s32 $0xFFFFC000  }
0xbb: {  	_ =	swait.ge [sflag:s30], $0x80  }
0xbc: {  	[sflag:s30] =	ssyncset.done $0x0  }
0xbd: {  	s10 =	sadd.s32 $0x14380, s9;
	[sflag:s30] =	ssyncadd.s32 $0xFFFFFF80  }
0xbe: {  	[tilespmem:s20], [sflag:$0x1] =	stream.indirect.gather [hbm4b:s1+s19], $0x80, s10, s19, $0xb8;
	[tilespmem:$0x1EB00] =	vst v63  }
0xbf: {  	_ =	swait.ge [sflag:s31], $0x4000  }
.Ltmp1:
0xc0: {  	[sflag:s31] =	ssyncset.done $0x0;
	(pc) =	sbr.rel @p0 .LBB2_4-.Ltmp1, $4  }
0xc1: {  	[sflag:s31] =	ssyncadd.s32 $0xFFFFC000  }
0xc2: {  	_ =	swait.ge [sflag:s0], $0x80  }
0xc3: {  	[sflag:s0] =	ssyncset.done $0x0  }
0xc4: {  	s9 =	sadd.s32 $0x14400, s9;
	[sflag:s0] =	ssyncadd.s32 $0xFFFFFF80  }
0xc5: {  	[tilespmem:s23], [sflag:$0x2] =	stream.indirect.gather [hbm4b:s1+s19], $0x80, s9, s19, $0xb8;
	[tilespmem:$0x1EB00] =	vst v63  }
0xc6: {  	_ =	swait.ge [sflag:s25], $0x4000  }
0xc7: {  	[sflag:s25] =	ssyncset.done $0x0  }
0xc8: {  	[sflag:s25] =	ssyncadd.s32 $0xFFFFC000  }
0xc9: {  	[spmem:s3] =	stream.indirect.scatter.add.f32 [tilespmem:s20], [sflag:$0x3], $0x80, s2, s19, $0xb8;
	[tilespmem:$0x1EB00] =	vst v63  }
0xca: {  	_ = 	snop  }
0xcb: {  	[spmem:s4] =	stream.indirect.scatter.add.f32 [tilespmem:s26], [sflag:$0x5], $0x1, s2, s19, $0xb8;
	[tilespmem:$0x1EB00] =	vst v63  }
0xcc: {  	_ =	swait.ge [sflag:s28], $0x4000  }
0xcd: {  	[sflag:s28] =	ssyncset.done $0x0  }
0xce: {  	[sflag:s28] =	ssyncadd.s32 $0xFFFFC000  }
0xcf: {  	[spmem:s3] =	stream.indirect.scatter.add.f32 [tilespmem:s23], [sflag:$0x4], $0x80, s5, s19, $0xb8;
	[tilespmem:$0x1EB00] =	vst v63  }
0xd0: {  	_ = 	snop  }
0xd1: {  	[spmem:s4] =	stream.indirect.scatter.add.f32 [tilespmem:s26], [sflag:$0x6], $0x1, s5, s19, $0xb8;
	[tilespmem:$0x1EB00] =	vst v63  }
0xd2: {  	_ =	swait.ge [sflag:s29], $0x4000  }
0xd3: {  	[sflag:s29] =	ssyncset.done $0x0  }
0xd4: {  	[sflag:s29] =	ssyncadd.s32 $0xFFFFC000  }
0xd5: {  	_ =	swait.ge [sflag:s30], $0x80  }
0xd6: {  	[sflag:s30] =	ssyncset.done $0x0  }
0xd7: {  	[sflag:s30] =	ssyncadd.s32 $0xFFFFFF80  }
0xd8: {  	_ =	swait.ge [sflag:s31], $0x4000  }
0xd9: {  	[sflag:s31] =	ssyncset.done $0x0  }
0xda: {  	[sflag:s31] =	ssyncadd.s32 $0xFFFFC000  }
0xdb: {  	_ =	swait.ge [sflag:s0], $0x80  }
0xdc: {  	[sflag:s0] =	ssyncset.done $0x0  }
0xdd: {  	[sflag:s0] =	ssyncadd.s32 $0xFFFFFF80  }
0xde: {  	[bflag:$0x0] =	sbarrier.arrive $0xFFFF  }
0xdf: {  	[hbm:s22], [sflag:s7] =	dma.local [spmem:s14], $0x2800  }
0xe0: {  	s6 =	sadd.s32 $0x1, s6;
	_ =	swait.ge [sflag:s15], $0x2800  }
0xe1: {  	s8 =	simm.s32 $0x20;
	p0 =	sne.s32 s6, s13;
	[sflag:s15] =	ssyncset.done $0x0  }
.Ltmp2:
0xe2: {  	s10 =	simm.s32 $0x10;
	[sflag:s15] =	ssyncadd.s32 $0xFFFFD800;
	(pc) =	sbr.rel @p0 .LBB2_1-.Ltmp2, $4  }
0xe3: {  	[hbm:s24@s8], [sflag:s7] =	dma.strided [spmem:s16@s10], $0x50, s25, $0x10   }
0xe4: {  	_ =	swait.ge [sflag:s15], $0x50  }
0xe5: {  	[sflag:s15] =	ssyncset.done $0x0  }
0xe6: {  	[sflag:s15] =	ssyncadd.s32 $0xFFFFFFB0  }
0xe7: {  	_ =	sfence.sel $0x180000  }
0xe8: {  	[bflag:$0x0] =	sbarrier.arrive $0xFFFF  }
0xe9: {  	_ =	strace $0x90000047  }
0xea: {  	s0 =	stileid.u32;
	[bflag:$0x2] =	sbarrier.arrive $0xFFFF  }
0xeb: {  	p0 =	sne.s32 s0, $0x0;
	s0 =	rddreg [dreg:$0x5]  }
0xec: {  	s0 =	sadd.s32 @!p0 $0x100000, s0  }
0xed: {  	[sflag:s0] =	ssyncadd.tile.s32 @!p0 $0x1;
	_ =	shalt  }
.Lfunc_end2:
_tile_overlayer_lowered:
.L_overlay_start_2:
0xee: {  	(tag) =	ssettag $0x2  }
0xef: {  	s0 =	rddreg [dreg:$0x0];
	s2 =	stileid.u32  }
0xf0: {  	s1 =	rddreg [dreg:$0x1];
	p0 =	sne.s32 s2, $0x0  }
0xf1: {  	s3 =	rddreg [dreg:$0x2];
	[bflag:$0x3] =	sbarrier.arrive $0xFFFF;
	s2 =	simm.s32 @!p0 $0x1C07  }
0xf2: {  	[timem:s3], [sflag:s2] =	dma.local @!p0 [hbm:s0], s1  }
0xf3: {  	s0 =	simm.s32 @!p0 $0x7  }
0xf4: {  	_ =	swait.ge @!p0 [sflag:s0], s1  }
0xf5: {  	s1 =	ssub.s32 @!p0 $0x0, s1;
	[sflag:s0] =	ssyncset.done @!p0 $0x0  }
0xf6: {  	[sflag:s0] =	ssyncadd.s32 @!p0 s1  }
0xf7: {  	[bflag:$0x3] =	sbarrier.arrive $0xFFFF  }
0xf8: {  	_ =	shalt  }

</sc_bundles>
